<compile_context>
chip_gen: v7x
topology: tpu7x:2x2x1
jax: 0.10.2.dev20260603
libtpu: 0.0.44.dev20260713+nightly
codegen_flags: <defaults>
</compile_context>

<pallas_src>
import functools

import jax
import jax.numpy as jnp
from jax import lax
from jax.experimental import pallas as pl
from jax.experimental.pallas import tpu as pltpu
from jax.experimental.pallas import tpu_sc as plsc

_NC = 2
_NS = 16
_L = 16
_NW = _NC * _NS


def _proj_body(emb_ref, tw_ref, wt_ref, out_ref):
    x = (emb_ref[...] * tw_ref[...]).astype(jnp.bfloat16)
    out_ref[...] = jnp.exp(
        jnp.dot(x, wt_ref[...], preferred_element_type=jnp.float32)
    )


def _project_table(embeddings, token_weights, wt_pad, blk_rows):
    v, h = embeddings.shape
    lp = wt_pad.shape[1]
    grid = v // blk_rows
    return pl.pallas_call(
        _proj_body,
        grid=(grid,),
        in_specs=[
            pl.BlockSpec((blk_rows, h), lambda i: (i, 0)),
            pl.BlockSpec((blk_rows, 1), lambda i: (i, 0)),
            pl.BlockSpec((h, lp), lambda i: (0, 0)),
        ],
        out_specs=pl.BlockSpec((blk_rows, lp), lambda i: (i, 0)),
        out_shape=jax.ShapeDtypeStruct((v, lp), jnp.float32),
    )(embeddings, token_weights, wt_pad)


def _make_sc_sumexp(batch, seq, lp, chunk):
    rows_per_w = batch // _NW
    nvec = lp // _L
    n_chunks = seq // chunk

    mesh = plsc.VectorSubcoreMesh(core_axis_name="c", subcore_axis_name="s")

    @functools.partial(
        pl.kernel,
        out_type=jax.ShapeDtypeStruct((batch, lp), jnp.float32),
        mesh=mesh,
        scratch_types=[
            pltpu.VMEM((seq, rows_per_w), jnp.int32),
            pltpu.VMEM((rows_per_w, lp), jnp.float32),
            pltpu.SemaphoreType.DMA,
        ],
    )
    def sc_sumexp(ep_hbm, ids_hbm, out_hbm, ids_v, acc_v, sem):
        wid = lax.axis_index("s") * _NC + lax.axis_index("c")

        ids_cp = pltpu.async_copy(
            ids_hbm.at[:, pl.ds(wid * rows_per_w, rows_per_w)], ids_v, sem
        )

        zero = jnp.zeros((_L,), jnp.float32)

        def zero_body(i, _):
            for j in range(nvec):
                acc_v[i, pl.ds(j * _L, _L)] = zero
            return ()

        lax.fori_loop(0, rows_per_w, zero_body, ())
        ids_cp.wait()

        def chunk_body(c, _):
            for u in range(chunk):
                s = c * chunk + u
                pltpu.async_copy(ep_hbm.at[ids_v.at[s]], acc_v, sem, add=True)

            @pl.when(c > 0)
            def _drain_prev():
                for _ in range(chunk):
                    pltpu.make_async_copy(
                        ep_hbm.at[ids_v.at[0]], acc_v, sem
                    ).wait()

            return ()

        lax.fori_loop(0, n_chunks, chunk_body, ())
        for _ in range(chunk):
            pltpu.make_async_copy(ep_hbm.at[ids_v.at[0]], acc_v, sem).wait()

        pltpu.sync_copy(acc_v, out_hbm.at[pl.ds(wid * rows_per_w, rows_per_w)])

    return sc_sumexp


def _log_body(s_ref, b_ref, out_ref):
    n = out_ref.shape[1]
    out_ref[...] = jnp.log(s_ref[:, :n]) + b_ref[...]


def _log_bias(sumexp, b_real):
    batch, lp = sumexp.shape
    n_lang = b_real.shape[1]
    return pl.pallas_call(
        _log_body,
        in_specs=[
            pl.BlockSpec((batch, lp), lambda: (0, 0)),
            pl.BlockSpec((1, n_lang), lambda: (0, 0)),
        ],
        out_specs=pl.BlockSpec((batch, n_lang), lambda: (0, 0)),
        out_shape=jax.ShapeDtypeStruct((batch, n_lang), jnp.float32),
    )(sumexp, b_real)


def kernel(token_ids, embeddings, token_weights, W, b):
    batch, seq = token_ids.shape
    vocab, hidden = embeddings.shape
    n_lang = W.shape[0]
    lp = ((n_lang + 127) // 128) * 128

    wt_pad = (
        jnp.zeros((hidden, lp), jnp.float32)
        .at[:, :n_lang]
        .set(W.T)
        .astype(jnp.bfloat16)
    )
    b_pad = b.reshape(1, n_lang)

    ep_table = _project_table(embeddings, token_weights, wt_pad, blk_rows=10000)

    ids_t = token_ids.astype(jnp.int32).T
    sumexp = _make_sc_sumexp(batch, seq, lp, chunk=20)(ep_table, ids_t)

    return _log_bias(sumexp, b_pad)

# --- scband reference (transcript-rebuilt; emitter-appended) ---
"""Pipeline reference for scband-language-detection-model-87574383165773 (READ-ONLY COPY).

The authoritative reference and input builder live on the scoring server;
editing this copy changes nothing except your own understanding.
"""

import jax, jax.numpy as jnp
import numpy as np


def setup_inputs(seed: int = 0) -> dict:
    key = jax.random.key(seed)
    k1, k2, k3 = jax.random.split(key, 3)
    batch, seq_len = 4096, 200
    vocab_size, hidden_dim, n_languages = 100000, 128, 100
    token_ids = jax.random.randint(k1, (batch, seq_len), 0, vocab_size)
    embeddings = jax.random.normal(k2, (vocab_size, hidden_dim), dtype=jnp.float32) * 0.02
    token_weights = jnp.ones((vocab_size, 1), dtype=jnp.float32)
    W = jax.random.normal(k3, (n_languages, hidden_dim), dtype=jnp.float32) * (1.0 / np.sqrt(hidden_dim))
    b = jnp.zeros((n_languages,), dtype=jnp.float32)
    return {"token_ids": token_ids, "embeddings": embeddings, "token_weights": token_weights, "W": W, "b": b}


def reference(token_ids, embeddings, token_weights, W, b):
    # embedding gather: (B, S, H)
    emb = jnp.take(embeddings, token_ids, axis=0)
    # per-token learnable weights gather: (B, S, 1)
    tw = jnp.take(token_weights, token_ids, axis=0)
    x = emb * tw
    # dropout is identity in eval mode
    # linear projection hidden_dim -> n_languages
    x = x @ W.T + b
    # logsumexp pooling over the sequence dimension
    logits = jax.scipy.special.logsumexp(x, axis=1)
    return logits

if __name__ == "__main__":
    import jax
    _d = setup_inputs()
    print(jax.jit(kernel)(*tuple(_d.values())))

</pallas_src>

<mosaic_0001>
#map = affine_map<(d0, d1) -> (0, 0)>
module attributes {stable_mosaic.version = 14 : i64} {
  func.func @sc_sumexp(%arg0: i32, %arg1: i32, %arg2: memref<100000x128xf32, #tpu.memory_space<hbm>>, %arg3: memref<200x4096xi32, #tpu.memory_space<hbm>>, %arg4: memref<4096x128xf32, #tpu.memory_space<hbm>>, %arg5: memref<200x128xi32, #tpu.memory_space<vmem>>, %arg6: memref<128x128xf32, #tpu.memory_space<vmem>>, %arg7: memref<!tpu.dma_semaphore, #tpu.memory_space<semaphore_mem>>) attributes {dimension_semantics = [#tpu.dimension_semantics<core_parallel>, #tpu.dimension_semantics<subcore_parallel>], iteration_bounds = array<i64: 2, 16>, scalar_prefetch = 0 : i64, scratch_operands = 3 : i64, tpu.core_type = #tpu.core_type<sc_vector_subcore>, window_params = [{transform_indices = #map}, {transform_indices = #map}, {transform_indices = #map}]} {
    %mul3A = arith.constant 2 : i32
    %mul3A_0 = arith.muli %arg1, %mul3A : i32
    %add3A = arith.addi %mul3A_0, %arg0 : i32
    %mul3A_1 = arith.constant 128 : i32
    %mul3A_2 = arith.muli %add3A, %mul3A_1 : i32
    %dma_start3A = arith.constant 0 : i32
    %dma_start3A_3 = tpu.memref_slice %arg3[%dma_start3A, %mul3A_2] : memref<200x4096xi32, #tpu.memory_space<hbm>> -> memref<200x128xi32, #tpu.memory_space<hbm>>
    %dma_start3A_4 = arith.constant 0 : i32
    %dma_start3A_5 = tpu.memref_slice %arg3[%dma_start3A_4, %mul3A_2] : memref<200x4096xi32, #tpu.memory_space<hbm>> -> memref<200x128xi32, #tpu.memory_space<hbm>>
    tpu.enqueue_dma source(%dma_start3A_5 : memref<200x128xi32, #tpu.memory_space<hbm>>) target(%arg5 : memref<200x128xi32, #tpu.memory_space<vmem>>) target_semaphore(%arg7 : memref<!tpu.dma_semaphore, #tpu.memory_space<semaphore_mem>>)
    %broadcast_in_dim3A = arith.constant 0.000000e+00 : f32
    %broadcast_in_dim3A_6 = vector.broadcast %broadcast_in_dim3A : f32 to vector<16xf32>
    %scan3A = arith.constant 0 : i32
    %scan3A_7 = arith.constant 128 : i32
    %scan3A_8 = arith.addi %scan3A, %scan3A_7 : i32
    %scan3A_9 = arith.constant 1 : i32
    scf.for %scan3A_161 = %scan3A to %scan3A_8 step %scan3A_9  : i32 {
      %swap3A = arith.index_cast %scan3A_161 : i32 to index
      %swap3A_162 = arith.constant 0 : index
      %swap3A_163 = tpu.vector_load %arg6[%swap3A, %swap3A_162] {strides = array<i32>} : memref<128x128xf32, #tpu.memory_space<vmem>>, vector<1x16xf32>,
      %swap3A_164 = vector.shape_cast %swap3A_163 : vector<1x16xf32> to vector<16xf32>
      %swap3A_165 = vector.shape_cast %broadcast_in_dim3A_6 : vector<16xf32> to vector<1x16xf32>
      tpu.vector_store %arg6[%swap3A, %swap3A_162], %swap3A_165 {strides = array<i32>} : memref<128x128xf32, #tpu.memory_space<vmem>>, vector<1x16xf32>,
      %swap3A_166 = arith.index_cast %scan3A_161 : i32 to index
      %swap3A_167 = arith.constant 16 : index
      %swap3A_168 = tpu.vector_load %arg6[%swap3A_166, %swap3A_167] {strides = array<i32>} : memref<128x128xf32, #tpu.memory_space<vmem>>, vector<1x16xf32>,
      %swap3A_169 = vector.shape_cast %swap3A_168 : vector<1x16xf32> to vector<16xf32>
      %swap3A_170 = vector.shape_cast %broadcast_in_dim3A_6 : vector<16xf32> to vector<1x16xf32>
      tpu.vector_store %arg6[%swap3A_166, %swap3A_167], %swap3A_170 {strides = array<i32>} : memref<128x128xf32, #tpu.memory_space<vmem>>, vector<1x16xf32>,
      %swap3A_171 = arith.index_cast %scan3A_161 : i32 to index
      %swap3A_172 = arith.constant 32 : index
      %swap3A_173 = tpu.vector_load %arg6[%swap3A_171, %swap3A_172] {strides = array<i32>} : memref<128x128xf32, #tpu.memory_space<vmem>>, vector<1x16xf32>,
      %swap3A_174 = vector.shape_cast %swap3A_173 : vector<1x16xf32> to vector<16xf32>
      %swap3A_175 = vector.shape_cast %broadcast_in_dim3A_6 : vector<16xf32> to vector<1x16xf32>
      tpu.vector_store %arg6[%swap3A_171, %swap3A_172], %swap3A_175 {strides = array<i32>} : memref<128x128xf32, #tpu.memory_space<vmem>>, vector<1x16xf32>,
      %swap3A_176 = arith.index_cast %scan3A_161 : i32 to index
      %swap3A_177 = arith.constant 48 : index
      %swap3A_178 = tpu.vector_load %arg6[%swap3A_176, %swap3A_177] {strides = array<i32>} : memref<128x128xf32, #tpu.memory_space<vmem>>, vector<1x16xf32>,
      %swap3A_179 = vector.shape_cast %swap3A_178 : vector<1x16xf32> to vector<16xf32>
      %swap3A_180 = vector.shape_cast %broadcast_in_dim3A_6 : vector<16xf32> to vector<1x16xf32>
      tpu.vector_store %arg6[%swap3A_176, %swap3A_177], %swap3A_180 {strides = array<i32>} : memref<128x128xf32, #tpu.memory_space<vmem>>, vector<1x16xf32>,
      %swap3A_181 = arith.index_cast %scan3A_161 : i32 to index
      %swap3A_182 = arith.constant 64 : index
      %swap3A_183 = tpu.vector_load %arg6[%swap3A_181, %swap3A_182] {strides = array<i32>} : memref<128x128xf32, #tpu.memory_space<vmem>>, vector<1x16xf32>,
      %swap3A_184 = vector.shape_cast %swap3A_183 : vector<1x16xf32> to vector<16xf32>
      %swap3A_185 = vector.shape_cast %broadcast_in_dim3A_6 : vector<16xf32> to vector<1x16xf32>
      tpu.vector_store %arg6[%swap3A_181, %swap3A_182], %swap3A_185 {strides = array<i32>} : memref<128x128xf32, #tpu.memory_space<vmem>>, vector<1x16xf32>,
      %swap3A_186 = arith.index_cast %scan3A_161 : i32 to index
      %swap3A_187 = arith.constant 80 : index
      %swap3A_188 = tpu.vector_load %arg6[%swap3A_186, %swap3A_187] {strides = array<i32>} : memref<128x128xf32, #tpu.memory_space<vmem>>, vector<1x16xf32>,
      %swap3A_189 = vector.shape_cast %swap3A_188 : vector<1x16xf32> to vector<16xf32>
      %swap3A_190 = vector.shape_cast %broadcast_in_dim3A_6 : vector<16xf32> to vector<1x16xf32>
      tpu.vector_store %arg6[%swap3A_186, %swap3A_187], %swap3A_190 {strides = array<i32>} : memref<128x128xf32, #tpu.memory_space<vmem>>, vector<1x16xf32>,
      %swap3A_191 = arith.index_cast %scan3A_161 : i32 to index
      %swap3A_192 = arith.constant 96 : index
      %swap3A_193 = tpu.vector_load %arg6[%swap3A_191, %swap3A_192] {strides = array<i32>} : memref<128x128xf32, #tpu.memory_space<vmem>>, vector<1x16xf32>,
      %swap3A_194 = vector.shape_cast %swap3A_193 : vector<1x16xf32> to vector<16xf32>
      %swap3A_195 = vector.shape_cast %broadcast_in_dim3A_6 : vector<16xf32> to vector<1x16xf32>
      tpu.vector_store %arg6[%swap3A_191, %swap3A_192], %swap3A_195 {strides = array<i32>} : memref<128x128xf32, #tpu.memory_space<vmem>>, vector<1x16xf32>,
      %swap3A_196 = arith.index_cast %scan3A_161 : i32 to index
      %swap3A_197 = arith.constant 112 : index
      %swap3A_198 = tpu.vector_load %arg6[%swap3A_196, %swap3A_197] {strides = array<i32>} : memref<128x128xf32, #tpu.memory_space<vmem>>, vector<1x16xf32>,
      %swap3A_199 = vector.shape_cast %swap3A_198 : vector<1x16xf32> to vector<16xf32>
      %swap3A_200 = vector.shape_cast %broadcast_in_dim3A_6 : vector<16xf32> to vector<1x16xf32>
      tpu.vector_store %arg6[%swap3A_196, %swap3A_197], %swap3A_200 {strides = array<i32>} : memref<128x128xf32, #tpu.memory_space<vmem>>, vector<1x16xf32>,
    }
    %scan3A_10 = arith.constant 128 : i32
    %dma_wait3A = arith.constant 0 : i32
    %dma_wait3A_11 = tpu.memref_slice %arg3[%dma_wait3A, %mul3A_2] : memref<200x4096xi32, #tpu.memory_space<hbm>> -> memref<200x128xi32, #tpu.memory_space<hbm>>
    %dma_wait3A_12 = arith.constant 0 : i32
    %dma_wait3A_13 = tpu.memref_slice %arg3[%dma_wait3A_12, %mul3A_2] : memref<200x4096xi32, #tpu.memory_space<hbm>> -> memref<200x128xi32, #tpu.memory_space<hbm>>
    tpu.wait_dma2 semaphore(%arg7 : memref<!tpu.dma_semaphore, #tpu.memory_space<semaphore_mem>>) src(%dma_wait3A_13 : memref<200x128xi32, #tpu.memory_space<hbm>>) dst(%arg5 : memref<200x128xi32, #tpu.memory_space<vmem>>)
    %scan3A_14 = arith.constant 0 : i32
    %scan3A_15 = arith.constant 10 : i32
    %scan3A_16 = arith.addi %scan3A_14, %scan3A_15 : i32
    %scan3A_17 = arith.constant 1 : i32
    scf.for %scan3A_161 = %scan3A_14 to %scan3A_16 step %scan3A_17  : i32 {
      %mul3A_162 = arith.constant 20 : i32
      %mul3A_163 = arith.muli %scan3A_161, %mul3A_162 : i32
      %add3A_164 = arith.constant 0 : i32
      %add3A_165 = arith.addi %mul3A_163, %add3A_164 : i32
      %dma_start3A_166 = arith.constant 0 : i32
      %dma_start3A_167 = tpu.memref_slice %arg5[%add3A_165, %dma_start3A_166] : memref<200x128xi32, #tpu.memory_space<vmem>> -> memref<1x128xi32, #tpu.memory_space<vmem>>
      %dma_start3A_168 = tpu.memref_squeeze %dma_start3A_167 : memref<1x128xi32, #tpu.memory_space<vmem>> -> memref<128xi32, #tpu.memory_space<vmem>>
      %dma_start3A_169 = arith.constant 0 : i32
      %dma_start3A_170 = arith.constant 0 : i32
      %dma_start3A_171 = tpu.memref_slice %arg2[%dma_start3A_169, %dma_start3A_170] : memref<100000x128xf32, #tpu.memory_space<hbm>> -> memref<100000x128xf32, #tpu.memory_space<hbm>>
      tpu.enqueue_indirect_dma source(%dma_start3A_171 : memref<100000x128xf32, #tpu.memory_space<hbm>>) target(%arg6 : memref<128x128xf32, #tpu.memory_space<vmem>>) offsets(%dma_start3A_168 : memref<128xi32, #tpu.memory_space<vmem>>) semaphore(%arg7 : memref<!tpu.dma_semaphore, #tpu.memory_space<semaphore_mem>>) {add = true}
      %mul3A_172 = arith.constant 20 : i32
      %mul3A_173 = arith.muli %scan3A_161, %mul3A_172 : i32
      %add3A_174 = arith.constant 1 : i32
      %add3A_175 = arith.addi %mul3A_173, %add3A_174 : i32
      %dma_start3A_176 = arith.constant 0 : i32
      %dma_start3A_177 = tpu.memref_slice %arg5[%add3A_175, %dma_start3A_176] : memref<200x128xi32, #tpu.memory_space<vmem>> -> memref<1x128xi32, #tpu.memory_space<vmem>>
      %dma_start3A_178 = tpu.memref_squeeze %dma_start3A_177 : memref<1x128xi32, #tpu.memory_space<vmem>> -> memref<128xi32, #tpu.memory_space<vmem>>
      %dma_start3A_179 = arith.constant 0 : i32
      %dma_start3A_180 = arith.constant 0 : i32
      %dma_start3A_181 = tpu.memref_slice %arg2[%dma_start3A_179, %dma_start3A_180] : memref<100000x128xf32, #tpu.memory_space<hbm>> -> memref<100000x128xf32, #tpu.memory_space<hbm>>
      tpu.enqueue_indirect_dma source(%dma_start3A_181 : memref<100000x128xf32, #tpu.memory_space<hbm>>) target(%arg6 : memref<128x128xf32, #tpu.memory_space<vmem>>) offsets(%dma_start3A_178 : memref<128xi32, #tpu.memory_space<vmem>>) semaphore(%arg7 : memref<!tpu.dma_semaphore, #tpu.memory_space<semaphore_mem>>) {add = true}
      %mul3A_182 = arith.constant 20 : i32
      %mul3A_183 = arith.muli %scan3A_161, %mul3A_182 : i32
      %add3A_184 = arith.constant 2 : i32
      %add3A_185 = arith.addi %mul3A_183, %add3A_184 : i32
      %dma_start3A_186 = arith.constant 0 : i32
      %dma_start3A_187 = tpu.memref_slice %arg5[%add3A_185, %dma_start3A_186] : memref<200x128xi32, #tpu.memory_space<vmem>> -> memref<1x128xi32, #tpu.memory_space<vmem>>
      %dma_start3A_188 = tpu.memref_squeeze %dma_start3A_187 : memref<1x128xi32, #tpu.memory_space<vmem>> -> memref<128xi32, #tpu.memory_space<vmem>>
      %dma_start3A_189 = arith.constant 0 : i32
      %dma_start3A_190 = arith.constant 0 : i32
      %dma_start3A_191 = tpu.memref_slice %arg2[%dma_start3A_189, %dma_start3A_190] : memref<100000x128xf32, #tpu.memory_space<hbm>> -> memref<100000x128xf32, #tpu.memory_space<hbm>>
      tpu.enqueue_indirect_dma source(%dma_start3A_191 : memref<100000x128xf32, #tpu.memory_space<hbm>>) target(%arg6 : memref<128x128xf32, #tpu.memory_space<vmem>>) offsets(%dma_start3A_188 : memref<128xi32, #tpu.memory_space<vmem>>) semaphore(%arg7 : memref<!tpu.dma_semaphore, #tpu.memory_space<semaphore_mem>>) {add = true}
      %mul3A_192 = arith.constant 20 : i32
      %mul3A_193 = arith.muli %scan3A_161, %mul3A_192 : i32
      %add3A_194 = arith.constant 3 : i32
      %add3A_195 = arith.addi %mul3A_193, %add3A_194 : i32
      %dma_start3A_196 = arith.constant 0 : i32
      %dma_start3A_197 = tpu.memref_slice %arg5[%add3A_195, %dma_start3A_196] : memref<200x128xi32, #tpu.memory_space<vmem>> -> memref<1x128xi32, #tpu.memory_space<vmem>>
      %dma_start3A_198 = tpu.memref_squeeze %dma_start3A_197 : memref<1x128xi32, #tpu.memory_space<vmem>> -> memref<128xi32, #tpu.memory_space<vmem>>
      %dma_start3A_199 = arith.constant 0 : i32
      %dma_start3A_200 = arith.constant 0 : i32
      %dma_start3A_201 = tpu.memref_slice %arg2[%dma_start3A_199, %dma_start3A_200] : memref<100000x128xf32, #tpu.memory_space<hbm>> -> memref<100000x128xf32, #tpu.memory_space<hbm>>
      tpu.enqueue_indirect_dma source(%dma_start3A_201 : memref<100000x128xf32, #tpu.memory_space<hbm>>) target(%arg6 : memref<128x128xf32, #tpu.memory_space<vmem>>) offsets(%dma_start3A_198 : memref<128xi32, #tpu.memory_space<vmem>>) semaphore(%arg7 : memref<!tpu.dma_semaphore, #tpu.memory_space<semaphore_mem>>) {add = true}
      %mul3A_202 = arith.constant 20 : i32
      %mul3A_203 = arith.muli %scan3A_161, %mul3A_202 : i32
      %add3A_204 = arith.constant 4 : i32
      %add3A_205 = arith.addi %mul3A_203, %add3A_204 : i32
      %dma_start3A_206 = arith.constant 0 : i32
      %dma_start3A_207 = tpu.memref_slice %arg5[%add3A_205, %dma_start3A_206] : memref<200x128xi32, #tpu.memory_space<vmem>> -> memref<1x128xi32, #tpu.memory_space<vmem>>
      %dma_start3A_208 = tpu.memref_squeeze %dma_start3A_207 : memref<1x128xi32, #tpu.memory_space<vmem>> -> memref<128xi32, #tpu.memory_space<vmem>>
      %dma_start3A_209 = arith.constant 0 : i32
      %dma_start3A_210 = arith.constant 0 : i32
      %dma_start3A_211 = tpu.memref_slice %arg2[%dma_start3A_209, %dma_start3A_210] : memref<100000x128xf32, #tpu.memory_space<hbm>> -> memref<100000x128xf32, #tpu.memory_space<hbm>>
      tpu.enqueue_indirect_dma source(%dma_start3A_211 : memref<100000x128xf32, #tpu.memory_space<hbm>>) target(%arg6 : memref<128x128xf32, #tpu.memory_space<vmem>>) offsets(%dma_start3A_208 : memref<128xi32, #tpu.memory_space<vmem>>) semaphore(%arg7 : memref<!tpu.dma_semaphore, #tpu.memory_space<semaphore_mem>>) {add = true}
      %mul3A_212 = arith.constant 20 : i32
      %mul3A_213 = arith.muli %scan3A_161, %mul3A_212 : i32
      %add3A_214 = arith.constant 5 : i32
      %add3A_215 = arith.addi %mul3A_213, %add3A_214 : i32
      %dma_start3A_216 = arith.constant 0 : i32
      %dma_start3A_217 = tpu.memref_slice %arg5[%add3A_215, %dma_start3A_216] : memref<200x128xi32, #tpu.memory_space<vmem>> -> memref<1x128xi32, #tpu.memory_space<vmem>>
      %dma_start3A_218 = tpu.memref_squeeze %dma_start3A_217 : memref<1x128xi32, #tpu.memory_space<vmem>> -> memref<128xi32, #tpu.memory_space<vmem>>
      %dma_start3A_219 = arith.constant 0 : i32
      %dma_start3A_220 = arith.constant 0 : i32
      %dma_start3A_221 = tpu.memref_slice %arg2[%dma_start3A_219, %dma_start3A_220] : memref<100000x128xf32, #tpu.memory_space<hbm>> -> memref<100000x128xf32, #tpu.memory_space<hbm>>
      tpu.enqueue_indirect_dma source(%dma_start3A_221 : memref<100000x128xf32, #tpu.memory_space<hbm>>) target(%arg6 : memref<128x128xf32, #tpu.memory_space<vmem>>) offsets(%dma_start3A_218 : memref<128xi32, #tpu.memory_space<vmem>>) semaphore(%arg7 : memref<!tpu.dma_semaphore, #tpu.memory_space<semaphore_mem>>) {add = true}
      %mul3A_222 = arith.constant 20 : i32
      %mul3A_223 = arith.muli %scan3A_161, %mul3A_222 : i32
      %add3A_224 = arith.constant 6 : i32
      %add3A_225 = arith.addi %mul3A_223, %add3A_224 : i32
      %dma_start3A_226 = arith.constant 0 : i32
      %dma_start3A_227 = tpu.memref_slice %arg5[%add3A_225, %dma_start3A_226] : memref<200x128xi32, #tpu.memory_space<vmem>> -> memref<1x128xi32, #tpu.memory_space<vmem>>
      %dma_start3A_228 = tpu.memref_squeeze %dma_start3A_227 : memref<1x128xi32, #tpu.memory_space<vmem>> -> memref<128xi32, #tpu.memory_space<vmem>>
      %dma_start3A_229 = arith.constant 0 : i32
      %dma_start3A_230 = arith.constant 0 : i32
      %dma_start3A_231 = tpu.memref_slice %arg2[%dma_start3A_229, %dma_start3A_230] : memref<100000x128xf32, #tpu.memory_space<hbm>> -> memref<100000x128xf32, #tpu.memory_space<hbm>>
      tpu.enqueue_indirect_dma source(%dma_start3A_231 : memref<100000x128xf32, #tpu.memory_space<hbm>>) target(%arg6 : memref<128x128xf32, #tpu.memory_space<vmem>>) offsets(%dma_start3A_228 : memref<128xi32, #tpu.memory_space<vmem>>) semaphore(%arg7 : memref<!tpu.dma_semaphore, #tpu.memory_space<semaphore_mem>>) {add = true}
      %mul3A_232 = arith.constant 20 : i32
      %mul3A_233 = arith.muli %scan3A_161, %mul3A_232 : i32
      %add3A_234 = arith.constant 7 : i32
      %add3A_235 = arith.addi %mul3A_233, %add3A_234 : i32
      %dma_start3A_236 = arith.constant 0 : i32
      %dma_start3A_237 = tpu.memref_slice %arg5[%add3A_235, %dma_start3A_236] : memref<200x128xi32, #tpu.memory_space<vmem>> -> memref<1x128xi32, #tpu.memory_space<vmem>>
      %dma_start3A_238 = tpu.memref_squeeze %dma_start3A_237 : memref<1x128xi32, #tpu.memory_space<vmem>> -> memref<128xi32, #tpu.memory_space<vmem>>
      %dma_start3A_239 = arith.constant 0 : i32
      %dma_start3A_240 = arith.constant 0 : i32
      %dma_start3A_241 = tpu.memref_slice %arg2[%dma_start3A_239, %dma_start3A_240] : memref<100000x128xf32, #tpu.memory_space<hbm>> -> memref<100000x128xf32, #tpu.memory_space<hbm>>
      tpu.enqueue_indirect_dma source(%dma_start3A_241 : memref<100000x128xf32, #tpu.memory_space<hbm>>) target(%arg6 : memref<128x128xf32, #tpu.memory_space<vmem>>) offsets(%dma_start3A_238 : memref<128xi32, #tpu.memory_space<vmem>>) semaphore(%arg7 : memref<!tpu.dma_semaphore, #tpu.memory_space<semaphore_mem>>) {add = true}
      %mul3A_242 = arith.constant 20 : i32
      %mul3A_243 = arith.muli %scan3A_161, %mul3A_242 : i32
      %add3A_244 = arith.constant 8 : i32
      %add3A_245 = arith.addi %mul3A_243, %add3A_244 : i32
      %dma_start3A_246 = arith.constant 0 : i32
      %dma_start3A_247 = tpu.memref_slice %arg5[%add3A_245, %dma_start3A_246] : memref<200x128xi32, #tpu.memory_space<vmem>> -> memref<1x128xi32, #tpu.memory_space<vmem>>
      %dma_start3A_248 = tpu.memref_squeeze %dma_start3A_247 : memref<1x128xi32, #tpu.memory_space<vmem>> -> memref<128xi32, #tpu.memory_space<vmem>>
      %dma_start3A_249 = arith.constant 0 : i32
      %dma_start3A_250 = arith.constant 0 : i32
      %dma_start3A_251 = tpu.memref_slice %arg2[%dma_start3A_249, %dma_start3A_250] : memref<100000x128xf32, #tpu.memory_space<hbm>> -> memref<100000x128xf32, #tpu.memory_space<hbm>>
      tpu.enqueue_indirect_dma source(%dma_start3A_251 : memref<100000x128xf32, #tpu.memory_space<hbm>>) target(%arg6 : memref<128x128xf32, #tpu.memory_space<vmem>>) offsets(%dma_start3A_248 : memref<128xi32, #tpu.memory_space<vmem>>) semaphore(%arg7 : memref<!tpu.dma_semaphore, #tpu.memory_space<semaphore_mem>>) {add = true}
      %mul3A_252 = arith.constant 20 : i32
      %mul3A_253 = arith.muli %scan3A_161, %mul3A_252 : i32
      %add3A_254 = arith.constant 9 : i32
      %add3A_255 = arith.addi %mul3A_253, %add3A_254 : i32
      %dma_start3A_256 = arith.constant 0 : i32
      %dma_start3A_257 = tpu.memref_slice %arg5[%add3A_255, %dma_start3A_256] : memref<200x128xi32, #tpu.memory_space<vmem>> -> memref<1x128xi32, #tpu.memory_space<vmem>>
      %dma_start3A_258 = tpu.memref_squeeze %dma_start3A_257 : memref<1x128xi32, #tpu.memory_space<vmem>> -> memref<128xi32, #tpu.memory_space<vmem>>
      %dma_start3A_259 = arith.constant 0 : i32
      %dma_start3A_260 = arith.constant 0 : i32
      %dma_start3A_261 = tpu.memref_slice %arg2[%dma_start3A_259, %dma_start3A_260] : memref<100000x128xf32, #tpu.memory_space<hbm>> -> memref<100000x128xf32, #tpu.memory_space<hbm>>
      tpu.enqueue_indirect_dma source(%dma_start3A_261 : memref<100000x128xf32, #tpu.memory_space<hbm>>) target(%arg6 : memref<128x128xf32, #tpu.memory_space<vmem>>) offsets(%dma_start3A_258 : memref<128xi32, #tpu.memory_space<vmem>>) semaphore(%arg7 : memref<!tpu.dma_semaphore, #tpu.memory_space<semaphore_mem>>) {add = true}
      %mul3A_262 = arith.constant 20 : i32
      %mul3A_263 = arith.muli %scan3A_161, %mul3A_262 : i32
      %add3A_264 = arith.constant 10 : i32
      %add3A_265 = arith.addi %mul3A_263, %add3A_264 : i32
      %dma_start3A_266 = arith.constant 0 : i32
      %dma_start3A_267 = tpu.memref_slice %arg5[%add3A_265, %dma_start3A_266] : memref<200x128xi32, #tpu.memory_space<vmem>> -> memref<1x128xi32, #tpu.memory_space<vmem>>
      %dma_start3A_268 = tpu.memref_squeeze %dma_start3A_267 : memref<1x128xi32, #tpu.memory_space<vmem>> -> memref<128xi32, #tpu.memory_space<vmem>>
      %dma_start3A_269 = arith.constant 0 : i32
      %dma_start3A_270 = arith.constant 0 : i32
      %dma_start3A_271 = tpu.memref_slice %arg2[%dma_start3A_269, %dma_start3A_270] : memref<100000x128xf32, #tpu.memory_space<hbm>> -> memref<100000x128xf32, #tpu.memory_space<hbm>>
      tpu.enqueue_indirect_dma source(%dma_start3A_271 : memref<100000x128xf32, #tpu.memory_space<hbm>>) target(%arg6 : memref<128x128xf32, #tpu.memory_space<vmem>>) offsets(%dma_start3A_268 : memref<128xi32, #tpu.memory_space<vmem>>) semaphore(%arg7 : memref<!tpu.dma_semaphore, #tpu.memory_space<semaphore_mem>>) {add = true}
      %mul3A_272 = arith.constant 20 : i32
      %mul3A_273 = arith.muli %scan3A_161, %mul3A_272 : i32
      %add3A_274 = arith.constant 11 : i32
      %add3A_275 = arith.addi %mul3A_273, %add3A_274 : i32
      %dma_start3A_276 = arith.constant 0 : i32
      %dma_start3A_277 = tpu.memref_slice %arg5[%add3A_275, %dma_start3A_276] : memref<200x128xi32, #tpu.memory_space<vmem>> -> memref<1x128xi32, #tpu.memory_space<vmem>>
      %dma_start3A_278 = tpu.memref_squeeze %dma_start3A_277 : memref<1x128xi32, #tpu.memory_space<vmem>> -> memref<128xi32, #tpu.memory_space<vmem>>
      %dma_start3A_279 = arith.constant 0 : i32
      %dma_start3A_280 = arith.constant 0 : i32
      %dma_start3A_281 = tpu.memref_slice %arg2[%dma_start3A_279, %dma_start3A_280] : memref<100000x128xf32, #tpu.memory_space<hbm>> -> memref<100000x128xf32, #tpu.memory_space<hbm>>
      tpu.enqueue_indirect_dma source(%dma_start3A_281 : memref<100000x128xf32, #tpu.memory_space<hbm>>) target(%arg6 : memref<128x128xf32, #tpu.memory_space<vmem>>) offsets(%dma_start3A_278 : memref<128xi32, #tpu.memory_space<vmem>>) semaphore(%arg7 : memref<!tpu.dma_semaphore, #tpu.memory_space<semaphore_mem>>) {add = true}
      %mul3A_282 = arith.constant 20 : i32
      %mul3A_283 = arith.muli %scan3A_161, %mul3A_282 : i32
      %add3A_284 = arith.constant 12 : i32
      %add3A_285 = arith.addi %mul3A_283, %add3A_284 : i32
      %dma_start3A_286 = arith.constant 0 : i32
      %dma_start3A_287 = tpu.memref_slice %arg5[%add3A_285, %dma_start3A_286] : memref<200x128xi32, #tpu.memory_space<vmem>> -> memref<1x128xi32, #tpu.memory_space<vmem>>
      %dma_start3A_288 = tpu.memref_squeeze %dma_start3A_287 : memref<1x128xi32, #tpu.memory_space<vmem>> -> memref<128xi32, #tpu.memory_space<vmem>>
      %dma_start3A_289 = arith.constant 0 : i32
      %dma_start3A_290 = arith.constant 0 : i32
      %dma_start3A_291 = tpu.memref_slice %arg2[%dma_start3A_289, %dma_start3A_290] : memref<100000x128xf32, #tpu.memory_space<hbm>> -> memref<100000x128xf32, #tpu.memory_space<hbm>>
      tpu.enqueue_indirect_dma source(%dma_start3A_291 : memref<100000x128xf32, #tpu.memory_space<hbm>>) target(%arg6 : memref<128x128xf32, #tpu.memory_space<vmem>>) offsets(%dma_start3A_288 : memref<128xi32, #tpu.memory_space<vmem>>) semaphore(%arg7 : memref<!tpu.dma_semaphore, #tpu.memory_space<semaphore_mem>>) {add = true}
      %mul3A_292 = arith.constant 20 : i32
      %mul3A_293 = arith.muli %scan3A_161, %mul3A_292 : i32
      %add3A_294 = arith.constant 13 : i32
      %add3A_295 = arith.addi %mul3A_293, %add3A_294 : i32
      %dma_start3A_296 = arith.constant 0 : i32
      %dma_start3A_297 = tpu.memref_slice %arg5[%add3A_295, %dma_start3A_296] : memref<200x128xi32, #tpu.memory_space<vmem>> -> memref<1x128xi32, #tpu.memory_space<vmem>>
      %dma_start3A_298 = tpu.memref_squeeze %dma_start3A_297 : memref<1x128xi32, #tpu.memory_space<vmem>> -> memref<128xi32, #tpu.memory_space<vmem>>
      %dma_start3A_299 = arith.constant 0 : i32
      %dma_start3A_300 = arith.constant 0 : i32
      %dma_start3A_301 = tpu.memref_slice %arg2[%dma_start3A_299, %dma_start3A_300] : memref<100000x128xf32, #tpu.memory_space<hbm>> -> memref<100000x128xf32, #tpu.memory_space<hbm>>
      tpu.enqueue_indirect_dma source(%dma_start3A_301 : memref<100000x128xf32, #tpu.memory_space<hbm>>) target(%arg6 : memref<128x128xf32, #tpu.memory_space<vmem>>) offsets(%dma_start3A_298 : memref<128xi32, #tpu.memory_space<vmem>>) semaphore(%arg7 : memref<!tpu.dma_semaphore, #tpu.memory_space<semaphore_mem>>) {add = true}
      %mul3A_302 = arith.constant 20 : i32
      %mul3A_303 = arith.muli %scan3A_161, %mul3A_302 : i32
      %add3A_304 = arith.constant 14 : i32
      %add3A_305 = arith.addi %mul3A_303, %add3A_304 : i32
      %dma_start3A_306 = arith.constant 0 : i32
      %dma_start3A_307 = tpu.memref_slice %arg5[%add3A_305, %dma_start3A_306] : memref<200x128xi32, #tpu.memory_space<vmem>> -> memref<1x128xi32, #tpu.memory_space<vmem>>
      %dma_start3A_308 = tpu.memref_squeeze %dma_start3A_307 : memref<1x128xi32, #tpu.memory_space<vmem>> -> memref<128xi32, #tpu.memory_space<vmem>>
      %dma_start3A_309 = arith.constant 0 : i32
      %dma_start3A_310 = arith.constant 0 : i32
      %dma_start3A_311 = tpu.memref_slice %arg2[%dma_start3A_309, %dma_start3A_310] : memref<100000x128xf32, #tpu.memory_space<hbm>> -> memref<100000x128xf32, #tpu.memory_space<hbm>>
      tpu.enqueue_indirect_dma source(%dma_start3A_311 : memref<100000x128xf32, #tpu.memory_space<hbm>>) target(%arg6 : memref<128x128xf32, #tpu.memory_space<vmem>>) offsets(%dma_start3A_308 : memref<128xi32, #tpu.memory_space<vmem>>) semaphore(%arg7 : memref<!tpu.dma_semaphore, #tpu.memory_space<semaphore_mem>>) {add = true}
      %mul3A_312 = arith.constant 20 : i32
      %mul3A_313 = arith.muli %scan3A_161, %mul3A_312 : i32
      %add3A_314 = arith.constant 15 : i32
      %add3A_315 = arith.addi %mul3A_313, %add3A_314 : i32
      %dma_start3A_316 = arith.constant 0 : i32
      %dma_start3A_317 = tpu.memref_slice %arg5[%add3A_315, %dma_start3A_316] : memref<200x128xi32, #tpu.memory_space<vmem>> -> memref<1x128xi32, #tpu.memory_space<vmem>>
      %dma_start3A_318 = tpu.memref_squeeze %dma_start3A_317 : memref<1x128xi32, #tpu.memory_space<vmem>> -> memref<128xi32, #tpu.memory_space<vmem>>
      %dma_start3A_319 = arith.constant 0 : i32
      %dma_start3A_320 = arith.constant 0 : i32
      %dma_start3A_321 = tpu.memref_slice %arg2[%dma_start3A_319, %dma_start3A_320] : memref<100000x128xf32, #tpu.memory_space<hbm>> -> memref<100000x128xf32, #tpu.memory_space<hbm>>
      tpu.enqueue_indirect_dma source(%dma_start3A_321 : memref<100000x128xf32, #tpu.memory_space<hbm>>) target(%arg6 : memref<128x128xf32, #tpu.memory_space<vmem>>) offsets(%dma_start3A_318 : memref<128xi32, #tpu.memory_space<vmem>>) semaphore(%arg7 : memref<!tpu.dma_semaphore, #tpu.memory_space<semaphore_mem>>) {add = true}
      %mul3A_322 = arith.constant 20 : i32
      %mul3A_323 = arith.muli %scan3A_161, %mul3A_322 : i32
      %add3A_324 = arith.constant 16 : i32
      %add3A_325 = arith.addi %mul3A_323, %add3A_324 : i32
      %dma_start3A_326 = arith.constant 0 : i32
      %dma_start3A_327 = tpu.memref_slice %arg5[%add3A_325, %dma_start3A_326] : memref<200x128xi32, #tpu.memory_space<vmem>> -> memref<1x128xi32, #tpu.memory_space<vmem>>
      %dma_start3A_328 = tpu.memref_squeeze %dma_start3A_327 : memref<1x128xi32, #tpu.memory_space<vmem>> -> memref<128xi32, #tpu.memory_space<vmem>>
      %dma_start3A_329 = arith.constant 0 : i32
      %dma_start3A_330 = arith.constant 0 : i32
      %dma_start3A_331 = tpu.memref_slice %arg2[%dma_start3A_329, %dma_start3A_330] : memref<100000x128xf32, #tpu.memory_space<hbm>> -> memref<100000x128xf32, #tpu.memory_space<hbm>>
      tpu.enqueue_indirect_dma source(%dma_start3A_331 : memref<100000x128xf32, #tpu.memory_space<hbm>>) target(%arg6 : memref<128x128xf32, #tpu.memory_space<vmem>>) offsets(%dma_start3A_328 : memref<128xi32, #tpu.memory_space<vmem>>) semaphore(%arg7 : memref<!tpu.dma_semaphore, #tpu.memory_space<semaphore_mem>>) {add = true}
      %mul3A_332 = arith.constant 20 : i32
      %mul3A_333 = arith.muli %scan3A_161, %mul3A_332 : i32
      %add3A_334 = arith.constant 17 : i32
      %add3A_335 = arith.addi %mul3A_333, %add3A_334 : i32
      %dma_start3A_336 = arith.constant 0 : i32
      %dma_start3A_337 = tpu.memref_slice %arg5[%add3A_335, %dma_start3A_336] : memref<200x128xi32, #tpu.memory_space<vmem>> -> memref<1x128xi32, #tpu.memory_space<vmem>>
      %dma_start3A_338 = tpu.memref_squeeze %dma_start3A_337 : memref<1x128xi32, #tpu.memory_space<vmem>> -> memref<128xi32, #tpu.memory_space<vmem>>
      %dma_start3A_339 = arith.constant 0 : i32
      %dma_start3A_340 = arith.constant 0 : i32
      %dma_start3A_341 = tpu.memref_slice %arg2[%dma_start3A_339, %dma_start3A_340] : memref<100000x128xf32, #tpu.memory_space<hbm>> -> memref<100000x128xf32, #tpu.memory_space<hbm>>
      tpu.enqueue_indirect_dma source(%dma_start3A_341 : memref<100000x128xf32, #tpu.memory_space<hbm>>) target(%arg6 : memref<128x128xf32, #tpu.memory_space<vmem>>) offsets(%dma_start3A_338 : memref<128xi32, #tpu.memory_space<vmem>>) semaphore(%arg7 : memref<!tpu.dma_semaphore, #tpu.memory_space<semaphore_mem>>) {add = true}
      %mul3A_342 = arith.constant 20 : i32
      %mul3A_343 = arith.muli %scan3A_161, %mul3A_342 : i32
      %add3A_344 = arith.constant 18 : i32
      %add3A_345 = arith.addi %mul3A_343, %add3A_344 : i32
      %dma_start3A_346 = arith.constant 0 : i32
      %dma_start3A_347 = tpu.memref_slice %arg5[%add3A_345, %dma_start3A_346] : memref<200x128xi32, #tpu.memory_space<vmem>> -> memref<1x128xi32, #tpu.memory_space<vmem>>
      %dma_start3A_348 = tpu.memref_squeeze %dma_start3A_347 : memref<1x128xi32, #tpu.memory_space<vmem>> -> memref<128xi32, #tpu.memory_space<vmem>>
      %dma_start3A_349 = arith.constant 0 : i32
      %dma_start3A_350 = arith.constant 0 : i32
      %dma_start3A_351 = tpu.memref_slice %arg2[%dma_start3A_349, %dma_start3A_350] : memref<100000x128xf32, #tpu.memory_space<hbm>> -> memref<100000x128xf32, #tpu.memory_space<hbm>>
      tpu.enqueue_indirect_dma source(%dma_start3A_351 : memref<100000x128xf32, #tpu.memory_space<hbm>>) target(%arg6 : memref<128x128xf32, #tpu.memory_space<vmem>>) offsets(%dma_start3A_348 : memref<128xi32, #tpu.memory_space<vmem>>) semaphore(%arg7 : memref<!tpu.dma_semaphore, #tpu.memory_space<semaphore_mem>>) {add = true}
      %mul3A_352 = arith.constant 20 : i32
      %mul3A_353 = arith.muli %scan3A_161, %mul3A_352 : i32
      %add3A_354 = arith.constant 19 : i32
      %add3A_355 = arith.addi %mul3A_353, %add3A_354 : i32
      %dma_start3A_356 = arith.constant 0 : i32
      %dma_start3A_357 = tpu.memref_slice %arg5[%add3A_355, %dma_start3A_356] : memref<200x128xi32, #tpu.memory_space<vmem>> -> memref<1x128xi32, #tpu.memory_space<vmem>>
      %dma_start3A_358 = tpu.memref_squeeze %dma_start3A_357 : memref<1x128xi32, #tpu.memory_space<vmem>> -> memref<128xi32, #tpu.memory_space<vmem>>
      %dma_start3A_359 = arith.constant 0 : i32
      %dma_start3A_360 = arith.constant 0 : i32
      %dma_start3A_361 = tpu.memref_slice %arg2[%dma_start3A_359, %dma_start3A_360] : memref<100000x128xf32, #tpu.memory_space<hbm>> -> memref<100000x128xf32, #tpu.memory_space<hbm>>
      tpu.enqueue_indirect_dma source(%dma_start3A_361 : memref<100000x128xf32, #tpu.memory_space<hbm>>) target(%arg6 : memref<128x128xf32, #tpu.memory_space<vmem>>) offsets(%dma_start3A_358 : memref<128xi32, #tpu.memory_space<vmem>>) semaphore(%arg7 : memref<!tpu.dma_semaphore, #tpu.memory_space<semaphore_mem>>) {add = true}
      %gt3A = arith.constant 0 : i32
      %gt3A_362 = arith.cmpi sgt, %scan3A_161, %gt3A : i32
      %convert_element_type3A = arith.extui %gt3A_362 : i1 to i32
      %cond3A = arith.constant 0 : i32
      %cond3A_363 = arith.cmpi ne, %convert_element_type3A, %cond3A : i32
      scf.if %cond3A_363 {
        %dma_wait3A_364 = arith.constant 0 : i32
        %dma_wait3A_365 = arith.constant 0 : i32
        %dma_wait3A_366 = tpu.memref_slice %arg5[%dma_wait3A_364, %dma_wait3A_365] : memref<200x128xi32, #tpu.memory_space<vmem>> -> memref<1x128xi32, #tpu.memory_space<vmem>>
        %dma_wait3A_367 = tpu.memref_squeeze %dma_wait3A_366 : memref<1x128xi32, #tpu.memory_space<vmem>> -> memref<128xi32, #tpu.memory_space<vmem>>
        %dma_wait3A_368 = arith.constant 0 : i32
        %dma_wait3A_369 = arith.constant 0 : i32
        %dma_wait3A_370 = tpu.memref_slice %arg2[%dma_wait3A_368, %dma_wait3A_369] : memref<100000x128xf32, #tpu.memory_space<hbm>> -> memref<100000x128xf32, #tpu.memory_space<hbm>>
        tpu.wait_indirect_dma semaphore(%arg7 : memref<!tpu.dma_semaphore, #tpu.memory_space<semaphore_mem>>) src(%dma_wait3A_370 : memref<100000x128xf32, #tpu.memory_space<hbm>>) dst(%arg6 : memref<128x128xf32, #tpu.memory_space<vmem>>)
        %dma_wait3A_371 = arith.constant 0 : i32
        %dma_wait3A_372 = arith.constant 0 : i32
        %dma_wait3A_373 = tpu.memref_slice %arg5[%dma_wait3A_371, %dma_wait3A_372] : memref<200x128xi32, #tpu.memory_space<vmem>> -> memref<1x128xi32, #tpu.memory_space<vmem>>
        %dma_wait3A_374 = tpu.memref_squeeze %dma_wait3A_373 : memref<1x128xi32, #tpu.memory_space<vmem>> -> memref<128xi32, #tpu.memory_space<vmem>>
        %dma_wait3A_375 = arith.constant 0 : i32
        %dma_wait3A_376 = arith.constant 0 : i32
        %dma_wait3A_377 = tpu.memref_slice %arg2[%dma_wait3A_375, %dma_wait3A_376] : memref<100000x128xf32, #tpu.memory_space<hbm>> -> memref<100000x128xf32, #tpu.memory_space<hbm>>
        tpu.wait_indirect_dma semaphore(%arg7 : memref<!tpu.dma_semaphore, #tpu.memory_space<semaphore_mem>>) src(%dma_wait3A_377 : memref<100000x128xf32, #tpu.memory_space<hbm>>) dst(%arg6 : memref<128x128xf32, #tpu.memory_space<vmem>>)
        %dma_wait3A_378 = arith.constant 0 : i32
        %dma_wait3A_379 = arith.constant 0 : i32
        %dma_wait3A_380 = tpu.memref_slice %arg5[%dma_wait3A_378, %dma_wait3A_379] : memref<200x128xi32, #tpu.memory_space<vmem>> -> memref<1x128xi32, #tpu.memory_space<vmem>>
        %dma_wait3A_381 = tpu.memref_squeeze %dma_wait3A_380 : memref<1x128xi32, #tpu.memory_space<vmem>> -> memref<128xi32, #tpu.memory_space<vmem>>
        %dma_wait3A_382 = arith.constant 0 : i32
        %dma_wait3A_383 = arith.constant 0 : i32
        %dma_wait3A_384 = tpu.memref_slice %arg2[%dma_wait3A_382, %dma_wait3A_383] : memref<100000x128xf32, #tpu.memory_space<hbm>> -> memref<100000x128xf32, #tpu.memory_space<hbm>>
        tpu.wait_indirect_dma semaphore(%arg7 : memref<!tpu.dma_semaphore, #tpu.memory_space<semaphore_mem>>) src(%dma_wait3A_384 : memref<100000x128xf32, #tpu.memory_space<hbm>>) dst(%arg6 : memref<128x128xf32, #tpu.memory_space<vmem>>)
        %dma_wait3A_385 = arith.constant 0 : i32
        %dma_wait3A_386 = arith.constant 0 : i32
        %dma_wait3A_387 = tpu.memref_slice %arg5[%dma_wait3A_385, %dma_wait3A_386] : memref<200x128xi32, #tpu.memory_space<vmem>> -> memref<1x128xi32, #tpu.memory_space<vmem>>
        %dma_wait3A_388 = tpu.memref_squeeze %dma_wait3A_387 : memref<1x128xi32, #tpu.memory_space<vmem>> -> memref<128xi32, #tpu.memory_space<vmem>>
        %dma_wait3A_389 = arith.constant 0 : i32
        %dma_wait3A_390 = arith.constant 0 : i32
        %dma_wait3A_391 = tpu.memref_slice %arg2[%dma_wait3A_389, %dma_wait3A_390] : memref<100000x128xf32, #tpu.memory_space<hbm>> -> memref<100000x128xf32, #tpu.memory_space<hbm>>
        tpu.wait_indirect_dma semaphore(%arg7 : memref<!tpu.dma_semaphore, #tpu.memory_space<semaphore_mem>>) src(%dma_wait3A_391 : memref<100000x128xf32, #tpu.memory_space<hbm>>) dst(%arg6 : memref<128x128xf32, #tpu.memory_space<vmem>>)
        %dma_wait3A_392 = arith.constant 0 : i32
        %dma_wait3A_393 = arith.constant 0 : i32
        %dma_wait3A_394 = tpu.memref_slice %arg5[%dma_wait3A_392, %dma_wait3A_393] : memref<200x128xi32, #tpu.memory_space<vmem>> -> memref<1x128xi32, #tpu.memory_space<vmem>>
        %dma_wait3A_395 = tpu.memref_squeeze %dma_wait3A_394 : memref<1x128xi32, #tpu.memory_space<vmem>> -> memref<128xi32, #tpu.memory_space<vmem>>
        %dma_wait3A_396 = arith.constant 0 : i32
        %dma_wait3A_397 = arith.constant 0 : i32
        %dma_wait3A_398 = tpu.memref_slice %arg2[%dma_wait3A_396, %dma_wait3A_397] : memref<100000x128xf32, #tpu.memory_space<hbm>> -> memref<100000x128xf32, #tpu.memory_space<hbm>>
        tpu.wait_indirect_dma semaphore(%arg7 : memref<!tpu.dma_semaphore, #tpu.memory_space<semaphore_mem>>) src(%dma_wait3A_398 : memref<100000x128xf32, #tpu.memory_space<hbm>>) dst(%arg6 : memref<128x128xf32, #tpu.memory_space<vmem>>)
        %dma_wait3A_399 = arith.constant 0 : i32
        %dma_wait3A_400 = arith.constant 0 : i32
        %dma_wait3A_401 = tpu.memref_slice %arg5[%dma_wait3A_399, %dma_wait3A_400] : memref<200x128xi32, #tpu.memory_space<vmem>> -> memref<1x128xi32, #tpu.memory_space<vmem>>
        %dma_wait3A_402 = tpu.memref_squeeze %dma_wait3A_401 : memref<1x128xi32, #tpu.memory_space<vmem>> -> memref<128xi32, #tpu.memory_space<vmem>>
        %dma_wait3A_403 = arith.constant 0 : i32
        %dma_wait3A_404 = arith.constant 0 : i32
        %dma_wait3A_405 = tpu.memref_slice %arg2[%dma_wait3A_403, %dma_wait3A_404] : memref<100000x128xf32, #tpu.memory_space<hbm>> -> memref<100000x128xf32, #tpu.memory_space<hbm>>
        tpu.wait_indirect_dma semaphore(%arg7 : memref<!tpu.dma_semaphore, #tpu.memory_space<semaphore_mem>>) src(%dma_wait3A_405 : memref<100000x128xf32, #tpu.memory_space<hbm>>) dst(%arg6 : memref<128x128xf32, #tpu.memory_space<vmem>>)
        %dma_wait3A_406 = arith.constant 0 : i32
        %dma_wait3A_407 = arith.constant 0 : i32
        %dma_wait3A_408 = tpu.memref_slice %arg5[%dma_wait3A_406, %dma_wait3A_407] : memref<200x128xi32, #tpu.memory_space<vmem>> -> memref<1x128xi32, #tpu.memory_space<vmem>>
        %dma_wait3A_409 = tpu.memref_squeeze %dma_wait3A_408 : memref<1x128xi32, #tpu.memory_space<vmem>> -> memref<128xi32, #tpu.memory_space<vmem>>
        %dma_wait3A_410 = arith.constant 0 : i32
        %dma_wait3A_411 = arith.constant 0 : i32
        %dma_wait3A_412 = tpu.memref_slice %arg2[%dma_wait3A_410, %dma_wait3A_411] : memref<100000x128xf32, #tpu.memory_space<hbm>> -> memref<100000x128xf32, #tpu.memory_space<hbm>>
        tpu.wait_indirect_dma semaphore(%arg7 : memref<!tpu.dma_semaphore, #tpu.memory_space<semaphore_mem>>) src(%dma_wait3A_412 : memref<100000x128xf32, #tpu.memory_space<hbm>>) dst(%arg6 : memref<128x128xf32, #tpu.memory_space<vmem>>)
        %dma_wait3A_413 = arith.constant 0 : i32
        %dma_wait3A_414 = arith.constant 0 : i32
        %dma_wait3A_415 = tpu.memref_slice %arg5[%dma_wait3A_413, %dma_wait3A_414] : memref<200x128xi32, #tpu.memory_space<vmem>> -> memref<1x128xi32, #tpu.memory_space<vmem>>
        %dma_wait3A_416 = tpu.memref_squeeze %dma_wait3A_415 : memref<1x128xi32, #tpu.memory_space<vmem>> -> memref<128xi32, #tpu.memory_space<vmem>>
        %dma_wait3A_417 = arith.constant 0 : i32
        %dma_wait3A_418 = arith.constant 0 : i32
        %dma_wait3A_419 = tpu.memref_slice %arg2[%dma_wait3A_417, %dma_wait3A_418] : memref<100000x128xf32, #tpu.memory_space<hbm>> -> memref<100000x128xf32, #tpu.memory_space<hbm>>
        tpu.wait_indirect_dma semaphore(%arg7 : memref<!tpu.dma_semaphore, #tpu.memory_space<semaphore_mem>>) src(%dma_wait3A_419 : memref<100000x128xf32, #tpu.memory_space<hbm>>) dst(%arg6 : memref<128x128xf32, #tpu.memory_space<vmem>>)
        %dma_wait3A_420 = arith.constant 0 : i32
        %dma_wait3A_421 = arith.constant 0 : i32
        %dma_wait3A_422 = tpu.memref_slice %arg5[%dma_wait3A_420, %dma_wait3A_421] : memref<200x128xi32, #tpu.memory_space<vmem>> -> memref<1x128xi32, #tpu.memory_space<vmem>>
        %dma_wait3A_423 = tpu.memref_squeeze %dma_wait3A_422 : memref<1x128xi32, #tpu.memory_space<vmem>> -> memref<128xi32, #tpu.memory_space<vmem>>
        %dma_wait3A_424 = arith.constant 0 : i32
        %dma_wait3A_425 = arith.constant 0 : i32
        %dma_wait3A_426 = tpu.memref_slice %arg2[%dma_wait3A_424, %dma_wait3A_425] : memref<100000x128xf32, #tpu.memory_space<hbm>> -> memref<100000x128xf32, #tpu.memory_space<hbm>>
        tpu.wait_indirect_dma semaphore(%arg7 : memref<!tpu.dma_semaphore, #tpu.memory_space<semaphore_mem>>) src(%dma_wait3A_426 : memref<100000x128xf32, #tpu.memory_space<hbm>>) dst(%arg6 : memref<128x128xf32, #tpu.memory_space<vmem>>)
        %dma_wait3A_427 = arith.constant 0 : i32
        %dma_wait3A_428 = arith.constant 0 : i32
        %dma_wait3A_429 = tpu.memref_slice %arg5[%dma_wait3A_427, %dma_wait3A_428] : memref<200x128xi32, #tpu.memory_space<vmem>> -> memref<1x128xi32, #tpu.memory_space<vmem>>
        %dma_wait3A_430 = tpu.memref_squeeze %dma_wait3A_429 : memref<1x128xi32, #tpu.memory_space<vmem>> -> memref<128xi32, #tpu.memory_space<vmem>>
        %dma_wait3A_431 = arith.constant 0 : i32
        %dma_wait3A_432 = arith.constant 0 : i32
        %dma_wait3A_433 = tpu.memref_slice %arg2[%dma_wait3A_431, %dma_wait3A_432] : memref<100000x128xf32, #tpu.memory_space<hbm>> -> memref<100000x128xf32, #tpu.memory_space<hbm>>
        tpu.wait_indirect_dma semaphore(%arg7 : memref<!tpu.dma_semaphore, #tpu.memory_space<semaphore_mem>>) src(%dma_wait3A_433 : memref<100000x128xf32, #tpu.memory_space<hbm>>) dst(%arg6 : memref<128x128xf32, #tpu.memory_space<vmem>>)
        %dma_wait3A_434 = arith.constant 0 : i32
        %dma_wait3A_435 = arith.constant 0 : i32
        %dma_wait3A_436 = tpu.memref_slice %arg5[%dma_wait3A_434, %dma_wait3A_435] : memref<200x128xi32, #tpu.memory_space<vmem>> -> memref<1x128xi32, #tpu.memory_space<vmem>>
        %dma_wait3A_437 = tpu.memref_squeeze %dma_wait3A_436 : memref<1x128xi32, #tpu.memory_space<vmem>> -> memref<128xi32, #tpu.memory_space<vmem>>
        %dma_wait3A_438 = arith.constant 0 : i32
        %dma_wait3A_439 = arith.constant 0 : i32
        %dma_wait3A_440 = tpu.memref_slice %arg2[%dma_wait3A_438, %dma_wait3A_439] : memref<100000x128xf32, #tpu.memory_space<hbm>> -> memref<100000x128xf32, #tpu.memory_space<hbm>>
        tpu.wait_indirect_dma semaphore(%arg7 : memref<!tpu.dma_semaphore, #tpu.memory_space<semaphore_mem>>) src(%dma_wait3A_440 : memref<100000x128xf32, #tpu.memory_space<hbm>>) dst(%arg6 : memref<128x128xf32, #tpu.memory_space<vmem>>)
        %dma_wait3A_441 = arith.constant 0 : i32
        %dma_wait3A_442 = arith.constant 0 : i32
        %dma_wait3A_443 = tpu.memref_slice %arg5[%dma_wait3A_441, %dma_wait3A_442] : memref<200x128xi32, #tpu.memory_space<vmem>> -> memref<1x128xi32, #tpu.memory_space<vmem>>
        %dma_wait3A_444 = tpu.memref_squeeze %dma_wait3A_443 : memref<1x128xi32, #tpu.memory_space<vmem>> -> memref<128xi32, #tpu.memory_space<vmem>>
        %dma_wait3A_445 = arith.constant 0 : i32
        %dma_wait3A_446 = arith.constant 0 : i32
        %dma_wait3A_447 = tpu.memref_slice %arg2[%dma_wait3A_445, %dma_wait3A_446] : memref<100000x128xf32, #tpu.memory_space<hbm>> -> memref<100000x128xf32, #tpu.memory_space<hbm>>
        tpu.wait_indirect_dma semaphore(%arg7 : memref<!tpu.dma_semaphore, #tpu.memory_space<semaphore_mem>>) src(%dma_wait3A_447 : memref<100000x128xf32, #tpu.memory_space<hbm>>) dst(%arg6 : memref<128x128xf32, #tpu.memory_space<vmem>>)
        %dma_wait3A_448 = arith.constant 0 : i32
        %dma_wait3A_449 = arith.constant 0 : i32
        %dma_wait3A_450 = tpu.memref_slice %arg5[%dma_wait3A_448, %dma_wait3A_449] : memref<200x128xi32, #tpu.memory_space<vmem>> -> memref<1x128xi32, #tpu.memory_space<vmem>>
        %dma_wait3A_451 = tpu.memref_squeeze %dma_wait3A_450 : memref<1x128xi32, #tpu.memory_space<vmem>> -> memref<128xi32, #tpu.memory_space<vmem>>
        %dma_wait3A_452 = arith.constant 0 : i32
        %dma_wait3A_453 = arith.constant 0 : i32
        %dma_wait3A_454 = tpu.memref_slice %arg2[%dma_wait3A_452, %dma_wait3A_453] : memref<100000x128xf32, #tpu.memory_space<hbm>> -> memref<100000x128xf32, #tpu.memory_space<hbm>>
        tpu.wait_indirect_dma semaphore(%arg7 : memref<!tpu.dma_semaphore, #tpu.memory_space<semaphore_mem>>) src(%dma_wait3A_454 : memref<100000x128xf32, #tpu.memory_space<hbm>>) dst(%arg6 : memref<128x128xf32, #tpu.memory_space<vmem>>)
        %dma_wait3A_455 = arith.constant 0 : i32
        %dma_wait3A_456 = arith.constant 0 : i32
        %dma_wait3A_457 = tpu.memref_slice %arg5[%dma_wait3A_455, %dma_wait3A_456] : memref<200x128xi32, #tpu.memory_space<vmem>> -> memref<1x128xi32, #tpu.memory_space<vmem>>
        %dma_wait3A_458 = tpu.memref_squeeze %dma_wait3A_457 : memref<1x128xi32, #tpu.memory_space<vmem>> -> memref<128xi32, #tpu.memory_space<vmem>>
        %dma_wait3A_459 = arith.constant 0 : i32
        %dma_wait3A_460 = arith.constant 0 : i32
        %dma_wait3A_461 = tpu.memref_slice %arg2[%dma_wait3A_459, %dma_wait3A_460] : memref<100000x128xf32, #tpu.memory_space<hbm>> -> memref<100000x128xf32, #tpu.memory_space<hbm>>
        tpu.wait_indirect_dma semaphore(%arg7 : memref<!tpu.dma_semaphore, #tpu.memory_space<semaphore_mem>>) src(%dma_wait3A_461 : memref<100000x128xf32, #tpu.memory_space<hbm>>) dst(%arg6 : memref<128x128xf32, #tpu.memory_space<vmem>>)
        %dma_wait3A_462 = arith.constant 0 : i32
        %dma_wait3A_463 = arith.constant 0 : i32
        %dma_wait3A_464 = tpu.memref_slice %arg5[%dma_wait3A_462, %dma_wait3A_463] : memref<200x128xi32, #tpu.memory_space<vmem>> -> memref<1x128xi32, #tpu.memory_space<vmem>>
        %dma_wait3A_465 = tpu.memref_squeeze %dma_wait3A_464 : memref<1x128xi32, #tpu.memory_space<vmem>> -> memref<128xi32, #tpu.memory_space<vmem>>
        %dma_wait3A_466 = arith.constant 0 : i32
        %dma_wait3A_467 = arith.constant 0 : i32
        %dma_wait3A_468 = tpu.memref_slice %arg2[%dma_wait3A_466, %dma_wait3A_467] : memref<100000x128xf32, #tpu.memory_space<hbm>> -> memref<100000x128xf32, #tpu.memory_space<hbm>>
        tpu.wait_indirect_dma semaphore(%arg7 : memref<!tpu.dma_semaphore, #tpu.memory_space<semaphore_mem>>) src(%dma_wait3A_468 : memref<100000x128xf32, #tpu.memory_space<hbm>>) dst(%arg6 : memref<128x128xf32, #tpu.memory_space<vmem>>)
        %dma_wait3A_469 = arith.constant 0 : i32
        %dma_wait3A_470 = arith.constant 0 : i32
        %dma_wait3A_471 = tpu.memref_slice %arg5[%dma_wait3A_469, %dma_wait3A_470] : memref<200x128xi32, #tpu.memory_space<vmem>> -> memref<1x128xi32, #tpu.memory_space<vmem>>
        %dma_wait3A_472 = tpu.memref_squeeze %dma_wait3A_471 : memref<1x128xi32, #tpu.memory_space<vmem>> -> memref<128xi32, #tpu.memory_space<vmem>>
        %dma_wait3A_473 = arith.constant 0 : i32
        %dma_wait3A_474 = arith.constant 0 : i32
        %dma_wait3A_475 = tpu.memref_slice %arg2[%dma_wait3A_473, %dma_wait3A_474] : memref<100000x128xf32, #tpu.memory_space<hbm>> -> memref<100000x128xf32, #tpu.memory_space<hbm>>
        tpu.wait_indirect_dma semaphore(%arg7 : memref<!tpu.dma_semaphore, #tpu.memory_space<semaphore_mem>>) src(%dma_wait3A_475 : memref<100000x128xf32, #tpu.memory_space<hbm>>) dst(%arg6 : memref<128x128xf32, #tpu.memory_space<vmem>>)
        %dma_wait3A_476 = arith.constant 0 : i32
        %dma_wait3A_477 = arith.constant 0 : i32
        %dma_wait3A_478 = tpu.memref_slice %arg5[%dma_wait3A_476, %dma_wait3A_477] : memref<200x128xi32, #tpu.memory_space<vmem>> -> memref<1x128xi32, #tpu.memory_space<vmem>>
        %dma_wait3A_479 = tpu.memref_squeeze %dma_wait3A_478 : memref<1x128xi32, #tpu.memory_space<vmem>> -> memref<128xi32, #tpu.memory_space<vmem>>
        %dma_wait3A_480 = arith.constant 0 : i32
        %dma_wait3A_481 = arith.constant 0 : i32
        %dma_wait3A_482 = tpu.memref_slice %arg2[%dma_wait3A_480, %dma_wait3A_481] : memref<100000x128xf32, #tpu.memory_space<hbm>> -> memref<100000x128xf32, #tpu.memory_space<hbm>>
        tpu.wait_indirect_dma semaphore(%arg7 : memref<!tpu.dma_semaphore, #tpu.memory_space<semaphore_mem>>) src(%dma_wait3A_482 : memref<100000x128xf32, #tpu.memory_space<hbm>>) dst(%arg6 : memref<128x128xf32, #tpu.memory_space<vmem>>)
        %dma_wait3A_483 = arith.constant 0 : i32
        %dma_wait3A_484 = arith.constant 0 : i32
        %dma_wait3A_485 = tpu.memref_slice %arg5[%dma_wait3A_483, %dma_wait3A_484] : memref<200x128xi32, #tpu.memory_space<vmem>> -> memref<1x128xi32, #tpu.memory_space<vmem>>
        %dma_wait3A_486 = tpu.memref_squeeze %dma_wait3A_485 : memref<1x128xi32, #tpu.memory_space<vmem>> -> memref<128xi32, #tpu.memory_space<vmem>>
        %dma_wait3A_487 = arith.constant 0 : i32
        %dma_wait3A_488 = arith.constant 0 : i32
        %dma_wait3A_489 = tpu.memref_slice %arg2[%dma_wait3A_487, %dma_wait3A_488] : memref<100000x128xf32, #tpu.memory_space<hbm>> -> memref<100000x128xf32, #tpu.memory_space<hbm>>
        tpu.wait_indirect_dma semaphore(%arg7 : memref<!tpu.dma_semaphore, #tpu.memory_space<semaphore_mem>>) src(%dma_wait3A_489 : memref<100000x128xf32, #tpu.memory_space<hbm>>) dst(%arg6 : memref<128x128xf32, #tpu.memory_space<vmem>>)
        %dma_wait3A_490 = arith.constant 0 : i32
        %dma_wait3A_491 = arith.constant 0 : i32
        %dma_wait3A_492 = tpu.memref_slice %arg5[%dma_wait3A_490, %dma_wait3A_491] : memref<200x128xi32, #tpu.memory_space<vmem>> -> memref<1x128xi32, #tpu.memory_space<vmem>>
        %dma_wait3A_493 = tpu.memref_squeeze %dma_wait3A_492 : memref<1x128xi32, #tpu.memory_space<vmem>> -> memref<128xi32, #tpu.memory_space<vmem>>
        %dma_wait3A_494 = arith.constant 0 : i32
        %dma_wait3A_495 = arith.constant 0 : i32
        %dma_wait3A_496 = tpu.memref_slice %arg2[%dma_wait3A_494, %dma_wait3A_495] : memref<100000x128xf32, #tpu.memory_space<hbm>> -> memref<100000x128xf32, #tpu.memory_space<hbm>>
        tpu.wait_indirect_dma semaphore(%arg7 : memref<!tpu.dma_semaphore, #tpu.memory_space<semaphore_mem>>) src(%dma_wait3A_496 : memref<100000x128xf32, #tpu.memory_space<hbm>>) dst(%arg6 : memref<128x128xf32, #tpu.memory_space<vmem>>)
        %dma_wait3A_497 = arith.constant 0 : i32
        %dma_wait3A_498 = arith.constant 0 : i32
        %dma_wait3A_499 = tpu.memref_slice %arg5[%dma_wait3A_497, %dma_wait3A_498] : memref<200x128xi32, #tpu.memory_space<vmem>> -> memref<1x128xi32, #tpu.memory_space<vmem>>
        %dma_wait3A_500 = tpu.memref_squeeze %dma_wait3A_499 : memref<1x128xi32, #tpu.memory_space<vmem>> -> memref<128xi32, #tpu.memory_space<vmem>>
        %dma_wait3A_501 = arith.constant 0 : i32
        %dma_wait3A_502 = arith.constant 0 : i32
        %dma_wait3A_503 = tpu.memref_slice %arg2[%dma_wait3A_501, %dma_wait3A_502] : memref<100000x128xf32, #tpu.memory_space<hbm>> -> memref<100000x128xf32, #tpu.memory_space<hbm>>
        tpu.wait_indirect_dma semaphore(%arg7 : memref<!tpu.dma_semaphore, #tpu.memory_space<semaphore_mem>>) src(%dma_wait3A_503 : memref<100000x128xf32, #tpu.memory_space<hbm>>) dst(%arg6 : memref<128x128xf32, #tpu.memory_space<vmem>>)
      } else {
      }
    }
    %scan3A_18 = arith.constant 10 : i32
    %dma_wait3A_19 = arith.constant 0 : i32
    %dma_wait3A_20 = arith.constant 0 : i32
    %dma_wait3A_21 = tpu.memref_slice %arg5[%dma_wait3A_19, %dma_wait3A_20] : memref<200x128xi32, #tpu.memory_space<vmem>> -> memref<1x128xi32, #tpu.memory_space<vmem>>
    %dma_wait3A_22 = tpu.memref_squeeze %dma_wait3A_21 : memref<1x128xi32, #tpu.memory_space<vmem>> -> memref<128xi32, #tpu.memory_space<vmem>>
    %dma_wait3A_23 = arith.constant 0 : i32
    %dma_wait3A_24 = arith.constant 0 : i32
    %dma_wait3A_25 = tpu.memref_slice %arg2[%dma_wait3A_23, %dma_wait3A_24] : memref<100000x128xf32, #tpu.memory_space<hbm>> -> memref<100000x128xf32, #tpu.memory_space<hbm>>
    tpu.wait_indirect_dma semaphore(%arg7 : memref<!tpu.dma_semaphore, #tpu.memory_space<semaphore_mem>>) src(%dma_wait3A_25 : memref<100000x128xf32, #tpu.memory_space<hbm>>) dst(%arg6 : memref<128x128xf32, #tpu.memory_space<vmem>>)
    %dma_wait3A_26 = arith.constant 0 : i32
    %dma_wait3A_27 = arith.constant 0 : i32
    %dma_wait3A_28 = tpu.memref_slice %arg5[%dma_wait3A_26, %dma_wait3A_27] : memref<200x128xi32, #tpu.memory_space<vmem>> -> memref<1x128xi32, #tpu.memory_space<vmem>>
    %dma_wait3A_29 = tpu.memref_squeeze %dma_wait3A_28 : memref<1x128xi32, #tpu.memory_space<vmem>> -> memref<128xi32, #tpu.memory_space<vmem>>
    %dma_wait3A_30 = arith.constant 0 : i32
    %dma_wait3A_31 = arith.constant 0 : i32
    %dma_wait3A_32 = tpu.memref_slice %arg2[%dma_wait3A_30, %dma_wait3A_31] : memref<100000x128xf32, #tpu.memory_space<hbm>> -> memref<100000x128xf32, #tpu.memory_space<hbm>>
    tpu.wait_indirect_dma semaphore(%arg7 : memref<!tpu.dma_semaphore, #tpu.memory_space<semaphore_mem>>) src(%dma_wait3A_32 : memref<100000x128xf32, #tpu.memory_space<hbm>>) dst(%arg6 : memref<128x128xf32, #tpu.memory_space<vmem>>)
    %dma_wait3A_33 = arith.constant 0 : i32
    %dma_wait3A_34 = arith.constant 0 : i32
    %dma_wait3A_35 = tpu.memref_slice %arg5[%dma_wait3A_33, %dma_wait3A_34] : memref<200x128xi32, #tpu.memory_space<vmem>> -> memref<1x128xi32, #tpu.memory_space<vmem>>
    %dma_wait3A_36 = tpu.memref_squeeze %dma_wait3A_35 : memref<1x128xi32, #tpu.memory_space<vmem>> -> memref<128xi32, #tpu.memory_space<vmem>>
    %dma_wait3A_37 = arith.constant 0 : i32
    %dma_wait3A_38 = arith.constant 0 : i32
    %dma_wait3A_39 = tpu.memref_slice %arg2[%dma_wait3A_37, %dma_wait3A_38] : memref<100000x128xf32, #tpu.memory_space<hbm>> -> memref<100000x128xf32, #tpu.memory_space<hbm>>
    tpu.wait_indirect_dma semaphore(%arg7 : memref<!tpu.dma_semaphore, #tpu.memory_space<semaphore_mem>>) src(%dma_wait3A_39 : memref<100000x128xf32, #tpu.memory_space<hbm>>) dst(%arg6 : memref<128x128xf32, #tpu.memory_space<vmem>>)
    %dma_wait3A_40 = arith.constant 0 : i32
    %dma_wait3A_41 = arith.constant 0 : i32
    %dma_wait3A_42 = tpu.memref_slice %arg5[%dma_wait3A_40, %dma_wait3A_41] : memref<200x128xi32, #tpu.memory_space<vmem>> -> memref<1x128xi32, #tpu.memory_space<vmem>>
    %dma_wait3A_43 = tpu.memref_squeeze %dma_wait3A_42 : memref<1x128xi32, #tpu.memory_space<vmem>> -> memref<128xi32, #tpu.memory_space<vmem>>
    %dma_wait3A_44 = arith.constant 0 : i32
    %dma_wait3A_45 = arith.constant 0 : i32
    %dma_wait3A_46 = tpu.memref_slice %arg2[%dma_wait3A_44, %dma_wait3A_45] : memref<100000x128xf32, #tpu.memory_space<hbm>> -> memref<100000x128xf32, #tpu.memory_space<hbm>>
    tpu.wait_indirect_dma semaphore(%arg7 : memref<!tpu.dma_semaphore, #tpu.memory_space<semaphore_mem>>) src(%dma_wait3A_46 : memref<100000x128xf32, #tpu.memory_space<hbm>>) dst(%arg6 : memref<128x128xf32, #tpu.memory_space<vmem>>)
    %dma_wait3A_47 = arith.constant 0 : i32
    %dma_wait3A_48 = arith.constant 0 : i32
    %dma_wait3A_49 = tpu.memref_slice %arg5[%dma_wait3A_47, %dma_wait3A_48] : memref<200x128xi32, #tpu.memory_space<vmem>> -> memref<1x128xi32, #tpu.memory_space<vmem>>
    %dma_wait3A_50 = tpu.memref_squeeze %dma_wait3A_49 : memref<1x128xi32, #tpu.memory_space<vmem>> -> memref<128xi32, #tpu.memory_space<vmem>>
    %dma_wait3A_51 = arith.constant 0 : i32
    %dma_wait3A_52 = arith.constant 0 : i32
    %dma_wait3A_53 = tpu.memref_slice %arg2[%dma_wait3A_51, %dma_wait3A_52] : memref<100000x128xf32, #tpu.memory_space<hbm>> -> memref<100000x128xf32, #tpu.memory_space<hbm>>
    tpu.wait_indirect_dma semaphore(%arg7 : memref<!tpu.dma_semaphore, #tpu.memory_space<semaphore_mem>>) src(%dma_wait3A_53 : memref<100000x128xf32, #tpu.memory_space<hbm>>) dst(%arg6 : memref<128x128xf32, #tpu.memory_space<vmem>>)
    %dma_wait3A_54 = arith.constant 0 : i32
    %dma_wait3A_55 = arith.constant 0 : i32
    %dma_wait3A_56 = tpu.memref_slice %arg5[%dma_wait3A_54, %dma_wait3A_55] : memref<200x128xi32, #tpu.memory_space<vmem>> -> memref<1x128xi32, #tpu.memory_space<vmem>>
    %dma_wait3A_57 = tpu.memref_squeeze %dma_wait3A_56 : memref<1x128xi32, #tpu.memory_space<vmem>> -> memref<128xi32, #tpu.memory_space<vmem>>
    %dma_wait3A_58 = arith.constant 0 : i32
    %dma_wait3A_59 = arith.constant 0 : i32
    %dma_wait3A_60 = tpu.memref_slice %arg2[%dma_wait3A_58, %dma_wait3A_59] : memref<100000x128xf32, #tpu.memory_space<hbm>> -> memref<100000x128xf32, #tpu.memory_space<hbm>>
    tpu.wait_indirect_dma semaphore(%arg7 : memref<!tpu.dma_semaphore, #tpu.memory_space<semaphore_mem>>) src(%dma_wait3A_60 : memref<100000x128xf32, #tpu.memory_space<hbm>>) dst(%arg6 : memref<128x128xf32, #tpu.memory_space<vmem>>)
    %dma_wait3A_61 = arith.constant 0 : i32
    %dma_wait3A_62 = arith.constant 0 : i32
    %dma_wait3A_63 = tpu.memref_slice %arg5[%dma_wait3A_61, %dma_wait3A_62] : memref<200x128xi32, #tpu.memory_space<vmem>> -> memref<1x128xi32, #tpu.memory_space<vmem>>
    %dma_wait3A_64 = tpu.memref_squeeze %dma_wait3A_63 : memref<1x128xi32, #tpu.memory_space<vmem>> -> memref<128xi32, #tpu.memory_space<vmem>>
    %dma_wait3A_65 = arith.constant 0 : i32
    %dma_wait3A_66 = arith.constant 0 : i32
    %dma_wait3A_67 = tpu.memref_slice %arg2[%dma_wait3A_65, %dma_wait3A_66] : memref<100000x128xf32, #tpu.memory_space<hbm>> -> memref<100000x128xf32, #tpu.memory_space<hbm>>
    tpu.wait_indirect_dma semaphore(%arg7 : memref<!tpu.dma_semaphore, #tpu.memory_space<semaphore_mem>>) src(%dma_wait3A_67 : memref<100000x128xf32, #tpu.memory_space<hbm>>) dst(%arg6 : memref<128x128xf32, #tpu.memory_space<vmem>>)
    %dma_wait3A_68 = arith.constant 0 : i32
    %dma_wait3A_69 = arith.constant 0 : i32
    %dma_wait3A_70 = tpu.memref_slice %arg5[%dma_wait3A_68, %dma_wait3A_69] : memref<200x128xi32, #tpu.memory_space<vmem>> -> memref<1x128xi32, #tpu.memory_space<vmem>>
    %dma_wait3A_71 = tpu.memref_squeeze %dma_wait3A_70 : memref<1x128xi32, #tpu.memory_space<vmem>> -> memref<128xi32, #tpu.memory_space<vmem>>
    %dma_wait3A_72 = arith.constant 0 : i32
    %dma_wait3A_73 = arith.constant 0 : i32
    %dma_wait3A_74 = tpu.memref_slice %arg2[%dma_wait3A_72, %dma_wait3A_73] : memref<100000x128xf32, #tpu.memory_space<hbm>> -> memref<100000x128xf32, #tpu.memory_space<hbm>>
    tpu.wait_indirect_dma semaphore(%arg7 : memref<!tpu.dma_semaphore, #tpu.memory_space<semaphore_mem>>) src(%dma_wait3A_74 : memref<100000x128xf32, #tpu.memory_space<hbm>>) dst(%arg6 : memref<128x128xf32, #tpu.memory_space<vmem>>)
    %dma_wait3A_75 = arith.constant 0 : i32
    %dma_wait3A_76 = arith.constant 0 : i32
    %dma_wait3A_77 = tpu.memref_slice %arg5[%dma_wait3A_75, %dma_wait3A_76] : memref<200x128xi32, #tpu.memory_space<vmem>> -> memref<1x128xi32, #tpu.memory_space<vmem>>
    %dma_wait3A_78 = tpu.memref_squeeze %dma_wait3A_77 : memref<1x128xi32, #tpu.memory_space<vmem>> -> memref<128xi32, #tpu.memory_space<vmem>>
    %dma_wait3A_79 = arith.constant 0 : i32
    %dma_wait3A_80 = arith.constant 0 : i32
    %dma_wait3A_81 = tpu.memref_slice %arg2[%dma_wait3A_79, %dma_wait3A_80] : memref<100000x128xf32, #tpu.memory_space<hbm>> -> memref<100000x128xf32, #tpu.memory_space<hbm>>
    tpu.wait_indirect_dma semaphore(%arg7 : memref<!tpu.dma_semaphore, #tpu.memory_space<semaphore_mem>>) src(%dma_wait3A_81 : memref<100000x128xf32, #tpu.memory_space<hbm>>) dst(%arg6 : memref<128x128xf32, #tpu.memory_space<vmem>>)
    %dma_wait3A_82 = arith.constant 0 : i32
    %dma_wait3A_83 = arith.constant 0 : i32
    %dma_wait3A_84 = tpu.memref_slice %arg5[%dma_wait3A_82, %dma_wait3A_83] : memref<200x128xi32, #tpu.memory_space<vmem>> -> memref<1x128xi32, #tpu.memory_space<vmem>>
    %dma_wait3A_85 = tpu.memref_squeeze %dma_wait3A_84 : memref<1x128xi32, #tpu.memory_space<vmem>> -> memref<128xi32, #tpu.memory_space<vmem>>
    %dma_wait3A_86 = arith.constant 0 : i32
    %dma_wait3A_87 = arith.constant 0 : i32
    %dma_wait3A_88 = tpu.memref_slice %arg2[%dma_wait3A_86, %dma_wait3A_87] : memref<100000x128xf32, #tpu.memory_space<hbm>> -> memref<100000x128xf32, #tpu.memory_space<hbm>>
    tpu.wait_indirect_dma semaphore(%arg7 : memref<!tpu.dma_semaphore, #tpu.memory_space<semaphore_mem>>) src(%dma_wait3A_88 : memref<100000x128xf32, #tpu.memory_space<hbm>>) dst(%arg6 : memref<128x128xf32, #tpu.memory_space<vmem>>)
    %dma_wait3A_89 = arith.constant 0 : i32
    %dma_wait3A_90 = arith.constant 0 : i32
    %dma_wait3A_91 = tpu.memref_slice %arg5[%dma_wait3A_89, %dma_wait3A_90] : memref<200x128xi32, #tpu.memory_space<vmem>> -> memref<1x128xi32, #tpu.memory_space<vmem>>
    %dma_wait3A_92 = tpu.memref_squeeze %dma_wait3A_91 : memref<1x128xi32, #tpu.memory_space<vmem>> -> memref<128xi32, #tpu.memory_space<vmem>>
    %dma_wait3A_93 = arith.constant 0 : i32
    %dma_wait3A_94 = arith.constant 0 : i32
    %dma_wait3A_95 = tpu.memref_slice %arg2[%dma_wait3A_93, %dma_wait3A_94] : memref<100000x128xf32, #tpu.memory_space<hbm>> -> memref<100000x128xf32, #tpu.memory_space<hbm>>
    tpu.wait_indirect_dma semaphore(%arg7 : memref<!tpu.dma_semaphore, #tpu.memory_space<semaphore_mem>>) src(%dma_wait3A_95 : memref<100000x128xf32, #tpu.memory_space<hbm>>) dst(%arg6 : memref<128x128xf32, #tpu.memory_space<vmem>>)
    %dma_wait3A_96 = arith.constant 0 : i32
    %dma_wait3A_97 = arith.constant 0 : i32
    %dma_wait3A_98 = tpu.memref_slice %arg5[%dma_wait3A_96, %dma_wait3A_97] : memref<200x128xi32, #tpu.memory_space<vmem>> -> memref<1x128xi32, #tpu.memory_space<vmem>>
    %dma_wait3A_99 = tpu.memref_squeeze %dma_wait3A_98 : memref<1x128xi32, #tpu.memory_space<vmem>> -> memref<128xi32, #tpu.memory_space<vmem>>
    %dma_wait3A_100 = arith.constant 0 : i32
    %dma_wait3A_101 = arith.constant 0 : i32
    %dma_wait3A_102 = tpu.memref_slice %arg2[%dma_wait3A_100, %dma_wait3A_101] : memref<100000x128xf32, #tpu.memory_space<hbm>> -> memref<100000x128xf32, #tpu.memory_space<hbm>>
    tpu.wait_indirect_dma semaphore(%arg7 : memref<!tpu.dma_semaphore, #tpu.memory_space<semaphore_mem>>) src(%dma_wait3A_102 : memref<100000x128xf32, #tpu.memory_space<hbm>>) dst(%arg6 : memref<128x128xf32, #tpu.memory_space<vmem>>)
    %dma_wait3A_103 = arith.constant 0 : i32
    %dma_wait3A_104 = arith.constant 0 : i32
    %dma_wait3A_105 = tpu.memref_slice %arg5[%dma_wait3A_103, %dma_wait3A_104] : memref<200x128xi32, #tpu.memory_space<vmem>> -> memref<1x128xi32, #tpu.memory_space<vmem>>
    %dma_wait3A_106 = tpu.memref_squeeze %dma_wait3A_105 : memref<1x128xi32, #tpu.memory_space<vmem>> -> memref<128xi32, #tpu.memory_space<vmem>>
    %dma_wait3A_107 = arith.constant 0 : i32
    %dma_wait3A_108 = arith.constant 0 : i32
    %dma_wait3A_109 = tpu.memref_slice %arg2[%dma_wait3A_107, %dma_wait3A_108] : memref<100000x128xf32, #tpu.memory_space<hbm>> -> memref<100000x128xf32, #tpu.memory_space<hbm>>
    tpu.wait_indirect_dma semaphore(%arg7 : memref<!tpu.dma_semaphore, #tpu.memory_space<semaphore_mem>>) src(%dma_wait3A_109 : memref<100000x128xf32, #tpu.memory_space<hbm>>) dst(%arg6 : memref<128x128xf32, #tpu.memory_space<vmem>>)
    %dma_wait3A_110 = arith.constant 0 : i32
    %dma_wait3A_111 = arith.constant 0 : i32
    %dma_wait3A_112 = tpu.memref_slice %arg5[%dma_wait3A_110, %dma_wait3A_111] : memref<200x128xi32, #tpu.memory_space<vmem>> -> memref<1x128xi32, #tpu.memory_space<vmem>>
    %dma_wait3A_113 = tpu.memref_squeeze %dma_wait3A_112 : memref<1x128xi32, #tpu.memory_space<vmem>> -> memref<128xi32, #tpu.memory_space<vmem>>
    %dma_wait3A_114 = arith.constant 0 : i32
    %dma_wait3A_115 = arith.constant 0 : i32
    %dma_wait3A_116 = tpu.memref_slice %arg2[%dma_wait3A_114, %dma_wait3A_115] : memref<100000x128xf32, #tpu.memory_space<hbm>> -> memref<100000x128xf32, #tpu.memory_space<hbm>>
    tpu.wait_indirect_dma semaphore(%arg7 : memref<!tpu.dma_semaphore, #tpu.memory_space<semaphore_mem>>) src(%dma_wait3A_116 : memref<100000x128xf32, #tpu.memory_space<hbm>>) dst(%arg6 : memref<128x128xf32, #tpu.memory_space<vmem>>)
    %dma_wait3A_117 = arith.constant 0 : i32
    %dma_wait3A_118 = arith.constant 0 : i32
    %dma_wait3A_119 = tpu.memref_slice %arg5[%dma_wait3A_117, %dma_wait3A_118] : memref<200x128xi32, #tpu.memory_space<vmem>> -> memref<1x128xi32, #tpu.memory_space<vmem>>
    %dma_wait3A_120 = tpu.memref_squeeze %dma_wait3A_119 : memref<1x128xi32, #tpu.memory_space<vmem>> -> memref<128xi32, #tpu.memory_space<vmem>>
    %dma_wait3A_121 = arith.constant 0 : i32
    %dma_wait3A_122 = arith.constant 0 : i32
    %dma_wait3A_123 = tpu.memref_slice %arg2[%dma_wait3A_121, %dma_wait3A_122] : memref<100000x128xf32, #tpu.memory_space<hbm>> -> memref<100000x128xf32, #tpu.memory_space<hbm>>
    tpu.wait_indirect_dma semaphore(%arg7 : memref<!tpu.dma_semaphore, #tpu.memory_space<semaphore_mem>>) src(%dma_wait3A_123 : memref<100000x128xf32, #tpu.memory_space<hbm>>) dst(%arg6 : memref<128x128xf32, #tpu.memory_space<vmem>>)
    %dma_wait3A_124 = arith.constant 0 : i32
    %dma_wait3A_125 = arith.constant 0 : i32
    %dma_wait3A_126 = tpu.memref_slice %arg5[%dma_wait3A_124, %dma_wait3A_125] : memref<200x128xi32, #tpu.memory_space<vmem>> -> memref<1x128xi32, #tpu.memory_space<vmem>>
    %dma_wait3A_127 = tpu.memref_squeeze %dma_wait3A_126 : memref<1x128xi32, #tpu.memory_space<vmem>> -> memref<128xi32, #tpu.memory_space<vmem>>
    %dma_wait3A_128 = arith.constant 0 : i32
    %dma_wait3A_129 = arith.constant 0 : i32
    %dma_wait3A_130 = tpu.memref_slice %arg2[%dma_wait3A_128, %dma_wait3A_129] : memref<100000x128xf32, #tpu.memory_space<hbm>> -> memref<100000x128xf32, #tpu.memory_space<hbm>>
    tpu.wait_indirect_dma semaphore(%arg7 : memref<!tpu.dma_semaphore, #tpu.memory_space<semaphore_mem>>) src(%dma_wait3A_130 : memref<100000x128xf32, #tpu.memory_space<hbm>>) dst(%arg6 : memref<128x128xf32, #tpu.memory_space<vmem>>)
    %dma_wait3A_131 = arith.constant 0 : i32
    %dma_wait3A_132 = arith.constant 0 : i32
    %dma_wait3A_133 = tpu.memref_slice %arg5[%dma_wait3A_131, %dma_wait3A_132] : memref<200x128xi32, #tpu.memory_space<vmem>> -> memref<1x128xi32, #tpu.memory_space<vmem>>
    %dma_wait3A_134 = tpu.memref_squeeze %dma_wait3A_133 : memref<1x128xi32, #tpu.memory_space<vmem>> -> memref<128xi32, #tpu.memory_space<vmem>>
    %dma_wait3A_135 = arith.constant 0 : i32
    %dma_wait3A_136 = arith.constant 0 : i32
    %dma_wait3A_137 = tpu.memref_slice %arg2[%dma_wait3A_135, %dma_wait3A_136] : memref<100000x128xf32, #tpu.memory_space<hbm>> -> memref<100000x128xf32, #tpu.memory_space<hbm>>
    tpu.wait_indirect_dma semaphore(%arg7 : memref<!tpu.dma_semaphore, #tpu.memory_space<semaphore_mem>>) src(%dma_wait3A_137 : memref<100000x128xf32, #tpu.memory_space<hbm>>) dst(%arg6 : memref<128x128xf32, #tpu.memory_space<vmem>>)
    %dma_wait3A_138 = arith.constant 0 : i32
    %dma_wait3A_139 = arith.constant 0 : i32
    %dma_wait3A_140 = tpu.memref_slice %arg5[%dma_wait3A_138, %dma_wait3A_139] : memref<200x128xi32, #tpu.memory_space<vmem>> -> memref<1x128xi32, #tpu.memory_space<vmem>>
    %dma_wait3A_141 = tpu.memref_squeeze %dma_wait3A_140 : memref<1x128xi32, #tpu.memory_space<vmem>> -> memref<128xi32, #tpu.memory_space<vmem>>
    %dma_wait3A_142 = arith.constant 0 : i32
    %dma_wait3A_143 = arith.constant 0 : i32
    %dma_wait3A_144 = tpu.memref_slice %arg2[%dma_wait3A_142, %dma_wait3A_143] : memref<100000x128xf32, #tpu.memory_space<hbm>> -> memref<100000x128xf32, #tpu.memory_space<hbm>>
    tpu.wait_indirect_dma semaphore(%arg7 : memref<!tpu.dma_semaphore, #tpu.memory_space<semaphore_mem>>) src(%dma_wait3A_144 : memref<100000x128xf32, #tpu.memory_space<hbm>>) dst(%arg6 : memref<128x128xf32, #tpu.memory_space<vmem>>)
    %dma_wait3A_145 = arith.constant 0 : i32
    %dma_wait3A_146 = arith.constant 0 : i32
    %dma_wait3A_147 = tpu.memref_slice %arg5[%dma_wait3A_145, %dma_wait3A_146] : memref<200x128xi32, #tpu.memory_space<vmem>> -> memref<1x128xi32, #tpu.memory_space<vmem>>
    %dma_wait3A_148 = tpu.memref_squeeze %dma_wait3A_147 : memref<1x128xi32, #tpu.memory_space<vmem>> -> memref<128xi32, #tpu.memory_space<vmem>>
    %dma_wait3A_149 = arith.constant 0 : i32
    %dma_wait3A_150 = arith.constant 0 : i32
    %dma_wait3A_151 = tpu.memref_slice %arg2[%dma_wait3A_149, %dma_wait3A_150] : memref<100000x128xf32, #tpu.memory_space<hbm>> -> memref<100000x128xf32, #tpu.memory_space<hbm>>
    tpu.wait_indirect_dma semaphore(%arg7 : memref<!tpu.dma_semaphore, #tpu.memory_space<semaphore_mem>>) src(%dma_wait3A_151 : memref<100000x128xf32, #tpu.memory_space<hbm>>) dst(%arg6 : memref<128x128xf32, #tpu.memory_space<vmem>>)
    %dma_wait3A_152 = arith.constant 0 : i32
    %dma_wait3A_153 = arith.constant 0 : i32
    %dma_wait3A_154 = tpu.memref_slice %arg5[%dma_wait3A_152, %dma_wait3A_153] : memref<200x128xi32, #tpu.memory_space<vmem>> -> memref<1x128xi32, #tpu.memory_space<vmem>>
    %dma_wait3A_155 = tpu.memref_squeeze %dma_wait3A_154 : memref<1x128xi32, #tpu.memory_space<vmem>> -> memref<128xi32, #tpu.memory_space<vmem>>
    %dma_wait3A_156 = arith.constant 0 : i32
    %dma_wait3A_157 = arith.constant 0 : i32
    %dma_wait3A_158 = tpu.memref_slice %arg2[%dma_wait3A_156, %dma_wait3A_157] : memref<100000x128xf32, #tpu.memory_space<hbm>> -> memref<100000x128xf32, #tpu.memory_space<hbm>>
    tpu.wait_indirect_dma semaphore(%arg7 : memref<!tpu.dma_semaphore, #tpu.memory_space<semaphore_mem>>) src(%dma_wait3A_158 : memref<100000x128xf32, #tpu.memory_space<hbm>>) dst(%arg6 : memref<128x128xf32, #tpu.memory_space<vmem>>)
    %mul3A_159 = arith.constant 128 : i32
    %mul3A_160 = arith.muli %add3A, %mul3A_159 : i32
    "tpu.region"() ({
      %run_scoped3A = tpu.sem_alloc : memref<!tpu.dma_semaphore, #tpu.memory_space<semaphore_mem>>
      %dma_start3A_161 = arith.constant 0 : i32
      %dma_start3A_162 = tpu.memref_slice %arg4[%mul3A_160, %dma_start3A_161] : memref<4096x128xf32, #tpu.memory_space<hbm>> -> memref<128x128xf32, #tpu.memory_space<hbm>>
      %dma_start3A_163 = arith.constant 0 : i32
      %dma_start3A_164 = tpu.memref_slice %arg4[%mul3A_160, %dma_start3A_163] : memref<4096x128xf32, #tpu.memory_space<hbm>> -> memref<128x128xf32, #tpu.memory_space<hbm>>
      tpu.enqueue_dma source(%arg6 : memref<128x128xf32, #tpu.memory_space<vmem>>) target(%dma_start3A_164 : memref<128x128xf32, #tpu.memory_space<hbm>>) target_semaphore(%run_scoped3A : memref<!tpu.dma_semaphore, #tpu.memory_space<semaphore_mem>>)
      %dma_wait3A_165 = arith.constant 0 : i32
      %dma_wait3A_166 = tpu.memref_slice %arg4[%mul3A_160, %dma_wait3A_165] : memref<4096x128xf32, #tpu.memory_space<hbm>> -> memref<128x128xf32, #tpu.memory_space<hbm>>
      %dma_wait3A_167 = arith.constant 0 : i32
      %dma_wait3A_168 = tpu.memref_slice %arg4[%mul3A_160, %dma_wait3A_167] : memref<4096x128xf32, #tpu.memory_space<hbm>> -> memref<128x128xf32, #tpu.memory_space<hbm>>
      tpu.wait_dma2 semaphore(%run_scoped3A : memref<!tpu.dma_semaphore, #tpu.memory_space<semaphore_mem>>) src(%arg6 : memref<128x128xf32, #tpu.memory_space<vmem>>) dst(%dma_wait3A_168 : memref<128x128xf32, #tpu.memory_space<hbm>>)
      tpu.yield
    }) : () -> ()
    return
  }
}

module attributes {stable_mosaic.version = 14 : i64} {
  func.func @_proj_body(%arg0: i32, %arg1: memref<10000x128xf32, #tpu.memory_space<vmem>>, %arg2: memref<10000x1xf32, #tpu.memory_space<vmem>>, %arg3: memref<128x128xbf16, #tpu.memory_space<vmem>>, %arg4: memref<10000x128xf32, #tpu.memory_space<vmem>>) attributes {dimension_semantics = [#tpu.dimension_semantics<arbitrary>], iteration_bounds = array<i64: 10>, scalar_prefetch = 0 : i64, scratch_operands = 0 : i64, tpu.core_type = #tpu.core_type<tc>, window_params = [{transform_indices = @transform_0, window_bounds = array<i64: 10000, 128>}, {transform_indices = @transform_1, window_bounds = array<i64: 10000, 1>}, {pipeline_mode = #tpu.pipeline_mode<synchronous>, transform_indices = @transform_2, window_bounds = array<i64: 128, 128>}, {transform_indices = @transform_3, window_bounds = array<i64: 10000, 128>}]} {
    %get3A = arith.constant 0 : index
    %get3A_0 = arith.constant 0 : index
    %get3A_1 = vector.load %arg1[%get3A, %get3A_0] : memref<10000x128xf32, #tpu.memory_space<vmem>>, vector<10000x128xf32>
    %get3A_2 = arith.constant 0 : index
    %get3A_3 = arith.constant 0 : index
    %get3A_4 = vector.load %arg2[%get3A_2, %get3A_3] : memref<10000x1xf32, #tpu.memory_space<vmem>>, vector<10000x1xf32>
    %mul3A = vector.broadcast %get3A_4 : vector<10000x1xf32> to vector<10000x128xf32>
    %mul3A_5 = arith.mulf %get3A_1, %mul3A : vector<10000x128xf32>
    %convert_element_type3A = arith.truncf %mul3A_5 : vector<10000x128xf32> to vector<10000x128xbf16>
    %get3A_6 = arith.constant 0 : index
    %get3A_7 = arith.constant 0 : index
    %get3A_8 = vector.load %arg3[%get3A_6, %get3A_7] : memref<128x128xbf16, #tpu.memory_space<vmem>>, vector<128x128xbf16>
    %dot_general3A = arith.constant dense<0.000000e+00> : vector<10000x128xf32>
    %dot_general3A_9 = tpu.matmul %convert_element_type3A, %get3A_8, %dot_general3A {dimension_numbers = #tpu.dot_dimension_numbers<[1], [0], [0], [1], [0, 0, 1, 1], [], []>, transpose_lhs_hint = false} : vector<10000x128xbf16>, vector<128x128xbf16>, vector<10000x128xf32> -> vector<10000x128xf32>
    %exp3A = math.exp %dot_general3A_9 : vector<10000x128xf32>
    %swap3A = arith.constant 0 : index
    %swap3A_10 = arith.constant 0 : index
    %swap3A_11 = vector.load %arg4[%swap3A, %swap3A_10] : memref<10000x128xf32, #tpu.memory_space<vmem>>, vector<10000x128xf32>
    tpu.vector_store %arg4[%swap3A, %swap3A_10], %exp3A {strides = array<i32>} : memref<10000x128xf32, #tpu.memory_space<vmem>>, vector<10000x128xf32>,
    return
  }
  func.func @transform_0(%arg0: i32) -> (i32, i32) {
    %c0_i32 = arith.constant 0 : i32
    %c0_i32_0 = arith.constant 0 : i32
    return %arg0, %c0_i32 : i32, i32
  }
  func.func @transform_1(%arg0: i32) -> (i32, i32) {
    %c0_i32 = arith.constant 0 : i32
    %c0_i32_0 = arith.constant 0 : i32
    return %arg0, %c0_i32 : i32, i32
  }
  func.func @transform_2(%arg0: i32) -> (i32, i32) {
    %c0_i32 = arith.constant 0 : i32
    %c0_i32_0 = arith.constant 0 : i32
    %c0_i32_1 = arith.constant 0 : i32
    return %c0_i32, %c0_i32_0 : i32, i32
  }
  func.func @transform_3(%arg0: i32) -> (i32, i32) {
    %c0_i32 = arith.constant 0 : i32
    %c0_i32_0 = arith.constant 0 : i32
    return %arg0, %c0_i32 : i32, i32
  }
}

module attributes {stable_mosaic.version = 14 : i64} {
  func.func @_log_body(%arg0: memref<4096x128xf32, #tpu.memory_space<vmem>>, %arg1: memref<1x100xf32, #tpu.memory_space<vmem>>, %arg2: memref<4096x100xf32, #tpu.memory_space<vmem>>) attributes {dimension_semantics = [], scalar_prefetch = 0 : i64, scratch_operands = 0 : i64, tpu.core_type = #tpu.core_type<tc>} {
    %get3A = arith.constant 0 : index
    %get3A_0 = arith.constant 0 : index
    %get3A_1 = vector.load %arg0[%get3A, %get3A_0] : memref<4096x128xf32, #tpu.memory_space<vmem>>, vector<4096x100xf32>
    %log3A = math.log %get3A_1 : vector<4096x100xf32>
    %get3A_2 = arith.constant 0 : index
    %get3A_3 = arith.constant 0 : index
    %get3A_4 = vector.load %arg1[%get3A_2, %get3A_3] : memref<1x100xf32, #tpu.memory_space<vmem>>, vector<1x100xf32>
    %add3A = vector.broadcast %get3A_4 : vector<1x100xf32> to vector<4096x100xf32>
    %add3A_5 = arith.addf %log3A, %add3A : vector<4096x100xf32>
    %swap3A = arith.constant 0 : index
    %swap3A_6 = arith.constant 0 : index
    %swap3A_7 = vector.load %arg2[%swap3A, %swap3A_6] : memref<4096x100xf32, #tpu.memory_space<vmem>>, vector<4096x100xf32>
    tpu.vector_store %arg2[%swap3A, %swap3A_6], %add3A_5 {strides = array<i32>} : memref<4096x100xf32, #tpu.memory_space<vmem>>, vector<4096x100xf32>,
    return
  }
}

</mosaic_0001>

<sc_bundles>
// kernel: kernel.5.cloned.1.call-start
scs
__scs_entry_jumppad:
0x0: {  	(pc) =	sbr.rel $0x88, $3  }
0x1: {  	(tag) =	ssettag $0x0;
	lr =	simm.s32 $0x1  }
0x2: {  	[smem:$0x3F9C] =	sst lr;
	_ =	strace $0xD0000000  }
0x3: {  	_ = 	snop  }
0x4: {  	_ = 	snop  }
0x5: {  	_ = 	snop  }
0x6: {  	_ = 	snop  }
0x7: {  	_ = 	snop  }
__scs_overlays_trampoline_lowered:
0x8: {  	[smem:$0x3FAB] =	sst s0  }
0x9: {  	[smem:$0x3FAC] =	sst s1  }
0xa: {  	[smem:$0x3FAD] =	sst s2  }
0xb: {  	[smem:$0x3FAE] =	sst s3  }
0xc: {  	[smem:$0x3FAF] =	sst s4  }
0xd: {  	[smem:$0x3FB0] =	sst s5  }
0xe: {  	[smem:$0x3FB1] =	sst s6  }
0xf: {  	[smem:$0x3FB2] =	sst s7  }
0x10: {  	[smem:$0x3FB3] =	sst s8  }
0x11: {  	[smem:$0x3FB4] =	sst s9;
	s0 =	simm.s32 @!p0 $0x0  }
0x12: {  	s1 =	sld [smem:$0x3F9A];
	s0 =	simm.s32 @p0 $0x1  }
0x13: {  	[smem:$0x3FB5] =	sst s0;
	s0 =	simm.s32 @!p1 $0x0  }
0x14: {  	s2 =	sld [smem:$0x3F99];
	s0 =	simm.s32 @p1 $0x1  }
0x15: {  	[smem:$0x3FB6] =	sst s0;
	s0 =	simm.s32 @!p2 $0x0  }
0x16: {  	s3 =	sld [smem:$0x3FDB];
	s0 =	simm.s32 @p2 $0x1  }
0x17: {  	s4 =	simm.s32 $0x1BF5;
	[smem:$0x3FB8] =	sst s0  }
0x18: {  	s0 =	sld [smem:$0x3F9B];
	_ =	swait.ge [sflag:s4], $0x0  }
0x19: {  	s7 =	sld [smem:$0x3F9C]  }
0x1a: {  	s8 =	sadd.s32 $0xFFFFE003, lr  }
0x1b: {  	s9 =	sadd.s32 $0xFFFFFEF7, lr;
	s5 =	simm.s32 $0xFFFFFFFF;
	p2 =	slt.u32 s8, $0xFFFFF086  }
0x1c: {  	p1 =	slt.u32 s9, $0xF7A;
	s5 =	simm.s32 @!p2 $0x0  }
0x1d: {  	s5 =	simm.s32 @p1 $0x1;
	p0 =	seq.s32 s7, s2  }
0x1e: {  	s7 =	smul.u32 @!p0 $0xF7A, s2;
	p2 =	seq.s32 @!p0 s5, $0x0  }
0x1f: {  	s9 =	smul.u32 $0xF7A, s1;
	s8 =	simm.s32 @!p0 $0x1BF5;
	p2 =	por !p2, p0  }
0x20: {  	[sflag:s8] =	ssyncset.s32 @!p0 $0xFFFFF086;
	s6 =	sadd.s32 @!p0 s3, s7;
	s7 =	simm.s32 @!p0 $0x108  }
0x21: {  	s3 =	sadd.s32 s3, s9;
	s6 =	sadd.s32 @!p0 $0x88, s6;
	s7 =	simm.s32 @p2 $0x1082  }
0x22: {  	[simem:s7], [sflag:s8] =	dma.local @!p0 [hbm:s6], $0xF7A  }
0x23: {  	s9 =	sor.u32 $0xD0000000, s2;
	s6 =	simm.s32 $0x108;
	_ =	swait.ge @!p0 [sflag:s8], $0x0  }
0x24: {  	s3 =	sadd.s32 $0x88, s3;
	s6 =	simm.s32 @!p1 $0x1082;
	[sflag:s4] =	ssyncset.s32 $0xFFFFF086  }
0x25: {  	[simem:s6], [sflag:s4] =	dma.local [hbm:s3], $0xF7A  }
0x26: {  	[smem:$0x3F9C] =	sst s1;
	(tag) =	ssettag s2;
	_ =	strace s9  }
0x27: {  	s1 =	sld [smem:$0x3FAC]  }
0x28: {  	s2 =	sld [smem:$0x3FAD]  }
0x29: {  	s4 =	sld [smem:$0x3FAF]  }
0x2a: {  	p0 =	seq.s32 s5, $0x0;
	s5 =	sld [smem:$0x3FB0]  }
0x2b: {  	s6 =	sld [smem:$0x3FB1]  }
0x2c: {  	s7 =	sld [smem:$0x3FB2]  }
0x2d: {  	s3 =	simm.s32 $0x108;
	s8 =	sld [smem:$0x3FB3]  }
0x2e: {  	s3 =	simm.s32 @!p0 $0x1082;
	s9 =	sld [smem:$0x3FB4]  }
0x2f: {  	lr =	sadd.s32 s0, s3;
	s0 =	sld [smem:$0x3FAB]  }
0x30: {  	s3 =	sld [smem:$0x3FAE]  }
0x31: {  	[smem:$0x3FB7] =	sst s10  }
0x32: {  	s10 =	sld [smem:$0x3FB5];
	_ =	sdelay $0x3  }
0x33: {  	p0 =	seq.s32 s10, $0x1;
	s10 =	sld [smem:$0x3FB7];
	_ =	sdelay $0x3  }
0x34: {  	[smem:$0x3FB7] =	sst s10  }
0x35: {  	s10 =	sld [smem:$0x3FB6];
	_ =	sdelay $0x3  }
0x36: {  	p1 =	seq.s32 s10, $0x1;
	s10 =	sld [smem:$0x3FB7];
	_ =	sdelay $0x3  }
0x37: {  	[smem:$0x3FB7] =	sst s10  }
0x38: {  	s10 =	sld [smem:$0x3FB8]  }
0x39: {  	_ = 	snop;
	(pc) =	sbr.ind lr, $3  }
0x3a: {  	_ = 	snop  }
0x3b: {  	_ = 	snop  }
0x3c: {  	p2 =	seq.s32 s10, $0x1;
	s10 =	sld [smem:$0x3FB7]  }
0x3d: {  	_ =	shalt  }
0x3e: {  	_ =	shalt  }
0x3f: {  	_ =	shalt  }
0x40: {  	_ =	shalt  }
0x41: {  	_ =	shalt  }
0x42: {  	_ =	shalt  }
0x43: {  	_ =	shalt  }
0x44: {  	_ =	shalt  }
0x45: {  	_ =	shalt  }
0x46: {  	_ =	shalt  }
0x47: {  	_ =	shalt  }
0x48: {  	_ =	shalt  }
0x49: {  	_ =	shalt  }
0x4a: {  	_ =	shalt  }
0x4b: {  	_ =	shalt  }
0x4c: {  	_ =	shalt  }
0x4d: {  	_ =	shalt  }
0x4e: {  	_ =	shalt  }
0x4f: {  	_ =	shalt  }
0x50: {  	_ =	shalt  }
0x51: {  	_ =	shalt  }
0x52: {  	_ =	shalt  }
0x53: {  	_ =	shalt  }
0x54: {  	_ =	shalt  }
0x55: {  	_ =	shalt  }
0x56: {  	_ =	shalt  }
0x57: {  	_ =	shalt  }
0x58: {  	_ =	shalt  }
0x59: {  	_ =	shalt  }
0x5a: {  	_ =	shalt  }
0x5b: {  	_ =	shalt  }
0x5c: {  	_ =	shalt  }
0x5d: {  	_ =	shalt  }
0x5e: {  	_ =	shalt  }
0x5f: {  	_ =	shalt  }
0x60: {  	_ =	shalt  }
0x61: {  	_ =	shalt  }
0x62: {  	_ =	shalt  }
0x63: {  	_ =	shalt  }
0x64: {  	_ =	shalt  }
0x65: {  	_ =	shalt  }
0x66: {  	_ =	shalt  }
0x67: {  	_ =	shalt  }
0x68: {  	_ =	shalt  }
0x69: {  	_ =	shalt  }
0x6a: {  	_ =	shalt  }
0x6b: {  	_ =	shalt  }
0x6c: {  	_ =	shalt  }
0x6d: {  	_ =	shalt  }
0x6e: {  	_ =	shalt  }
0x6f: {  	_ =	shalt  }
0x70: {  	_ =	shalt  }
0x71: {  	_ =	shalt  }
0x72: {  	_ =	shalt  }
0x73: {  	_ =	shalt  }
0x74: {  	_ =	shalt  }
0x75: {  	_ =	shalt  }
0x76: {  	_ =	shalt  }
0x77: {  	_ =	shalt  }
0x78: {  	_ =	shalt  }
0x79: {  	_ =	shalt  }
0x7a: {  	_ =	shalt  }
0x7b: {  	_ =	shalt  }
0x7c: {  	_ =	shalt  }
0x7d: {  	_ =	shalt  }
0x7e: {  	_ =	shalt  }
0x7f: {  	_ =	shalt  }
0x80: {  	_ =	shalt  }
0x81: {  	_ =	shalt  }
0x82: {  	_ =	shalt  }
0x83: {  	_ =	shalt  }
0x84: {  	_ =	shalt  }
0x85: {  	_ =	shalt  }
0x86: {  	_ =	shalt  }
0x87: {  	_ =	shalt  }
.Lfunc_end0:
.L_simem_size_0:
called_computation_lowered:
.L_overlay_start_0:
0x88: {  	s2 =	sld [smem:$0x3FD9]  }
0x89: {  	s3 =	sld [smem:$0x3FFE];
	_ =	sdelay $0x1  }
0x8a: {  	s1 =	srdreg.scid  }
0x8b: {  	s0 =	sand.u32 $0x1, s1  }
0x8c: {  	s17 =	sshll.u32 s0, $0xA;
	s2 =	sadd.s32 s3, s2  }
0x8d: {  	s2 =	sadd.s32 s2, s17  }
0x8e: {  	[smem:$0x3FC3] =	sst s2  }
0x8f: {  	_ = 	snop  }
0x90: {  	s2 =	sld [smem:$0x3FC9];
	(tm) =	ssettm $0x1  }
0x91: {  	s18 =	sld [smem:$0x3FFB];
	_ =	sdelay $0x3  }
0x92: {  	_ =	strace s18  }
0x93: {  	s3 =	sld [smem:$0x3FFC];
	_ =	sdelay $0x3  }
0x94: {  	_ =	strace s3  }
0x95: {  	s3 =	sld [smem:$0x3FFD];
	_ =	sdelay $0x3  }
0x96: {  	_ =	strace s3  }
0x97: {  	_ =	strace $0x8FFFFFFF  }
0x98: {  	s19 =	sld [smem:$0x3FDB];
	_ =	sdelay $0x1  }
0x99: {  	s4 =	simm.s32 $_scs_section_size  }
0x9a: {  	s5 =	simm.s32 $_size__tile_overlayer_lowered;
	s6 =	simm.s32 $_tile_overlayer_lowered  }
0x9b: {  	s22 =	simm.s32 $0x1BFF;
	s21 =	sshll.u32 s6, $0x1;
	s3 =	sadd.s32 s4, s19  }
0x9c: {  	s7 =	simm.s32 $0x0;
	s20 =	sshll.u32 s5, $0x1;
	s5 =	sadd.s32 s21, s3  }
0x9d: {  	[timem:s7], [sflag:s22] =	dma.local [hbm:s5], s20  }
0x9e: {  	_ =	swait.ge [sflag:s22], s20  }
0x9f: {  	s4 =	ssub.s32 $0x0, s20;
	[sflag:s22] =	ssyncset.done $0x0  }
0xa0: {  	[sflag:s22] =	ssyncadd.s32 s4;
	_ =	sdelay $0x1  }
0xa1: {  	s23 =	simm.s32 $0x1B8B  }
0xa2: {  	_ =	swait.ge [sflag:s23], $0x1  }
0xa3: {  	[sflag:s23] =	ssyncset.done $0x0  }
0xa4: {  	s25 =	simm.s32 $0x1B8E;
	s24 =	sld [smem:$0x3FFE];
	[sflag:s23] =	ssyncadd.s32 $0xFFFFFFFF  }
0xa5: {  	s26 =	simm.s32 $execute0_lowered;
	[smem:$0x3FD2] =	sst s25  }
0xa6: {  	s5 =	sshll.u32 s26, $0x1;
	_ =	strace $0x80000046;
	[dreg:$0x1] =	wrdreg $0xFFFFFFFF  }
0xa7: {  	s28 =	simm.s32 $_size_execute0_lowered;
	s3 =	sadd.s32 s3, s5;
	[dreg:$0x0] =	wrdreg $0x0  }
0xa8: {  	s5 =	sshll.u32 s28, $0x1;
	[dreg:$0x2] =	wrdreg s3  }
0xa9: {  	[dreg:$0x3] =	wrdreg s5  }
0xaa: {  	[dreg:$0x4] =	wrdreg $0xC0  }
0xab: {  	_ =	task [dreg:s7], $0x5FFFF  }
0xac: {  	[dreg:$0x1] =	wrdreg $0xFFFFFFFF  }
0xad: {  	[dreg:$0x0] =	wrdreg $0x60  }
0xae: {  	[dreg:$0x2] =	wrdreg s24  }
0xaf: {  	[dreg:$0x3] =	wrdreg s2  }
0xb0: {  	[dreg:$0x4] =	wrdreg $0x9  }
0xb1: {  	_ =	task.clear_ibuf [dreg:s7], $0x5FFFF;
	_ =	strace $0x90000046  }
0xb2: {  	s29 =	simm.s32 $0x9;
	_ =	strace $0x80000048  }
0xb3: {  	_ =	swait.ge [sflag:s29], $0x1  }
0xb4: {  	[sflag:s29] =	ssyncadd.s32 $0xFFFFFFFF  }
0xb5: {  	_ =	strace $0x90000048  }
0xb6: {  	_ =	sfence  }
0xb7: {  	s30 =	sld [smem:$0x0];
	_ =	sdelay $0x2  }
0xb8: {  	s31 =	sshll.u32 s1, $0xD;
	s1 =	sshrl.u32 s1, $0x2  }
0xb9: {  	s3 =	sand.u32 $0x4000, s31;
	s1 =	sadd.s32 s1, s30  }
0xba: {  	s0 =	sor.u32 s3, s0;
	s1 =	sshll.u32 s1, $0x11  }
0xbb: {  	s0 =	sor.u32 s1, s0  }
0xbc: {  	s0 =	sadd.s32 $0x8F2B, s0  }
0xbd: {  	[sflag:s0] =	ssyncadd.remote.s32 $0x1  }
0xbe: {  	_ =	sfence.sel $0xFFFF  }
0xbf: {  	[dreg:$0x0] =	wrdreg $0xFFFFFFFF;
	(pc) =	sbr.abs _section_cstart, $3  }
0xc0: {  	[dreg:$0x1] =	wrdreg $0xFFFFFFFF  }
0xc1: {  	_ =	task.clear_ibuf [dreg:s7], $0x2FFFF;
	_ =	strace $0x9FFFFFFF  }
0xc2: {  	(tm) =	ssettm $0x7FFFFFFF  }
0xc3: {  	_ =	shalt  }
tec
execute0_lowered:
.L_overlay_start_1:
0x0: {  	(tag) =	ssettag $0x1  }
0x1: {  	s4 =	rddreg [dreg:$0x0]  }
0x2: {  	s5 =	rddreg [dreg:$0x1]  }
0x3: {  	s0 =	rddreg [dreg:$0x2];
	s3 =	srdreg.scid  }
0x4: {  	s2 =	simm.s32 $0x0;
	s1 =	stileid.u32;
	s10 =	simm.s32 $0x80  }
0x5: {  	s11 =	simm.s32 $0x6400;
	s12 =	simm.s32 $0x2;
	s13 =	simm.s32 $0x0  }
0x6: {  	s3 =	sand.u32 $0x1, s3;
	[smem:$0x7FF] =	sst s2;
	s6 =	sshll.u32 s1, $0x8  }
0x7: {  	s7 =	sshll.u32 s3, $0x7;
	_ =	strace $0x80000047;
	s31 =	ssub.s32 $0x2, s3  }
0x8: {  	s3 =	sadd.s32 $0x186E00, s4;
	s6 =	sor.u32 s7, s6;
	s9 =	sshrl.u32 s31, $0x1  }
0x9: {  	s8 =	sshll.u32 s6, $0x4;
	s7 =	ssub.s32 s31, s9;
	s9 =	simm.s32 $0x1  }
0xa: {  	s8 =	sadd.s32 s8, s4;
	s4 =	sadd.s32 s5, s6;
	s6 =	smax.u32 s7, $0x1  }
0xb: {  	v0 =	vimm.f32 $0.0e+00;
	s7 =	simm.s32 $0x400;
	s5 =	sadd.s32 $0x400, s8;
	s8 =	simm.s32 $0x8000  }
.LBB2_1:
0xc: {  	[tilespmem:s2], [sflag:$0x1] =	stream.strided.gather [hbm4b:s4+s7], $0x6400, s8, s7, $0x38;
	[tilespmem:$0xA400] =	vst v63  }
0xd: {  	s14 =	simm.s32 $0x0;
	s15 =	simm.s32 $0x200  }
.LBB2_2:
0xe: {  	p0 =	sne.s32 s15, $0xFE00;
	[tilespmem:s14+$0x6470] =	vst v0  }
0xf: {  	[tilespmem:s14+$0x6400] =	vst v0  }
0x10: {  	[tilespmem:s14+$0x6410] =	vst v0  }
.Ltmp0:
0x11: {  	[tilespmem:s14+$0x6420] =	vst v0;
	(pc) =	sbr.rel @p0 .LBB2_2-.Ltmp0, $4  }
0x12: {  	[tilespmem:s14+$0x6430] =	vst v0  }
0x13: {  	[tilespmem:s14+$0x6440] =	vst v0  }
0x14: {  	[tilespmem:s14+$0x6450] =	vst v0  }
0x15: {  	[tilespmem:s14+$0x6460] =	vst v0;
	s14 =	sshra.s32 s15, $0x2;
	s15 =	sadd.s32 $0x200, s15  }
0x16: {  	[tilespmem:s14+$0x6470] =	vst v0  }
0x17: {  	[tilespmem:s14+$0x6400] =	vst v0  }
0x18: {  	[tilespmem:s14+$0x6410] =	vst v0  }
0x19: {  	[tilespmem:s14+$0x6420] =	vst v0  }
0x1a: {  	[tilespmem:s14+$0x6430] =	vst v0  }
0x1b: {  	[tilespmem:s14+$0x6440] =	vst v0  }
0x1c: {  	[tilespmem:s14+$0x6450] =	vst v0  }
0x1d: {  	[tilespmem:s14+$0x6460] =	vst v0  }
0x1e: {  	_ =	swait.ge [sflag:s9], $0x6400  }
0x1f: {  	[sflag:s9] =	ssyncset.done $0x0  }
0x20: {  	s28 =	simm.s32 $0x0;
	[sflag:s9] =	ssyncadd.s32 $0xFFFF9C00  }
0x21: {  	[tilespmem:s11], [sflag:$0x1] =	stream.indirect.gather.add.f32 [hbm:s3], $0x80, s28, s10, $0xb8;
	[tilespmem:$0xA400] =	vst v63  }
0x22: {  	s29 =	simm.s32 $0x80  }
0x23: {  	[tilespmem:s11], [sflag:$0x1] =	stream.indirect.gather.add.f32 [hbm:s3], $0x80, s29, s10, $0xb8;
	[tilespmem:$0xA400] =	vst v63  }
0x24: {  	s30 =	simm.s32 $0x100  }
0x25: {  	[tilespmem:s11], [sflag:$0x1] =	stream.indirect.gather.add.f32 [hbm:s3], $0x80, s30, s10, $0xb8;
	[tilespmem:$0xA400] =	vst v63  }
0x26: {  	s31 =	simm.s32 $0x180  }
0x27: {  	[tilespmem:s11], [sflag:$0x1] =	stream.indirect.gather.add.f32 [hbm:s3], $0x80, s31, s10, $0xb8;
	[tilespmem:$0xA400] =	vst v63  }
0x28: {  	s15 =	simm.s32 $0x200  }
0x29: {  	[tilespmem:s11], [sflag:$0x1] =	stream.indirect.gather.add.f32 [hbm:s3], $0x80, s15, s10, $0xb8;
	[tilespmem:$0xA400] =	vst v63  }
0x2a: {  	s16 =	simm.s32 $0x280  }
0x2b: {  	[tilespmem:s11], [sflag:$0x1] =	stream.indirect.gather.add.f32 [hbm:s3], $0x80, s16, s10, $0xb8;
	[tilespmem:$0xA400] =	vst v63  }
0x2c: {  	s17 =	simm.s32 $0x300  }
0x2d: {  	[tilespmem:s11], [sflag:$0x1] =	stream.indirect.gather.add.f32 [hbm:s3], $0x80, s17, s10, $0xb8;
	[tilespmem:$0xA400] =	vst v63  }
0x2e: {  	s18 =	simm.s32 $0x380  }
0x2f: {  	[tilespmem:s11], [sflag:$0x1] =	stream.indirect.gather.add.f32 [hbm:s3], $0x80, s18, s10, $0xb8;
	[tilespmem:$0xA400] =	vst v63  }
0x30: {  	s19 =	simm.s32 $0x400  }
0x31: {  	[tilespmem:s11], [sflag:$0x1] =	stream.indirect.gather.add.f32 [hbm:s3], $0x80, s19, s10, $0xb8;
	[tilespmem:$0xA400] =	vst v63  }
0x32: {  	s20 =	simm.s32 $0x480  }
0x33: {  	[tilespmem:s11], [sflag:$0x1] =	stream.indirect.gather.add.f32 [hbm:s3], $0x80, s20, s10, $0xb8;
	[tilespmem:$0xA400] =	vst v63  }
0x34: {  	s21 =	simm.s32 $0x500  }
0x35: {  	[tilespmem:s11], [sflag:$0x1] =	stream.indirect.gather.add.f32 [hbm:s3], $0x80, s21, s10, $0xb8;
	[tilespmem:$0xA400] =	vst v63  }
0x36: {  	s22 =	simm.s32 $0x580  }
0x37: {  	[tilespmem:s11], [sflag:$0x1] =	stream.indirect.gather.add.f32 [hbm:s3], $0x80, s22, s10, $0xb8;
	[tilespmem:$0xA400] =	vst v63  }
0x38: {  	s23 =	simm.s32 $0x600  }
0x39: {  	[tilespmem:s11], [sflag:$0x1] =	stream.indirect.gather.add.f32 [hbm:s3], $0x80, s23, s10, $0xb8;
	[tilespmem:$0xA400] =	vst v63  }
0x3a: {  	s24 =	simm.s32 $0x680  }
0x3b: {  	[tilespmem:s11], [sflag:$0x1] =	stream.indirect.gather.add.f32 [hbm:s3], $0x80, s24, s10, $0xb8;
	[tilespmem:$0xA400] =	vst v63  }
0x3c: {  	s25 =	simm.s32 $0x700  }
0x3d: {  	[tilespmem:s11], [sflag:$0x1] =	stream.indirect.gather.add.f32 [hbm:s3], $0x80, s25, s10, $0xb8;
	[tilespmem:$0xA400] =	vst v63  }
0x3e: {  	s26 =	simm.s32 $0x780  }
0x3f: {  	[tilespmem:s11], [sflag:$0x1] =	stream.indirect.gather.add.f32 [hbm:s3], $0x80, s26, s10, $0xb8;
	[tilespmem:$0xA400] =	vst v63  }
0x40: {  	s28 =	simm.s32 $0x800  }
0x41: {  	[tilespmem:s11], [sflag:$0x1] =	stream.indirect.gather.add.f32 [hbm:s3], $0x80, s28, s10, $0xb8;
	[tilespmem:$0xA400] =	vst v63  }
0x42: {  	s29 =	simm.s32 $0x880  }
0x43: {  	[tilespmem:s11], [sflag:$0x1] =	stream.indirect.gather.add.f32 [hbm:s3], $0x80, s29, s10, $0xb8;
	[tilespmem:$0xA400] =	vst v63  }
0x44: {  	p1 =	por $0x1, $0x1;
	s30 =	simm.s32 $0x900  }
0x45: {  	[tilespmem:s11], [sflag:$0x1] =	stream.indirect.gather.add.f32 [hbm:s3], $0x80, s30, s10, $0xb8;
	[tilespmem:$0xA400] =	vst v63  }
0x46: {  	s31 =	simm.s32 $0x980;
	s15 =	simm.s32 @!p1 $0x1  }
0x47: {  	[tilespmem:s11], [sflag:$0x1] =	stream.indirect.gather.add.f32 [hbm:s3], $0x80, s31, s10, $0xb8;
	[tilespmem:$0xA400] =	vst v63  }
0x48: {  	_ =	swait.ge @!p1 [sflag:s15], $0x4000  }
0x49: {  	[sflag:s15] =	ssyncset.done @!p1 $0x0  }
0x4a: {  	[sflag:s15] =	ssyncadd.s32 @!p1 $0xFFFFC000  }
0x4b: {  	_ =	swait.ge @!p1 [sflag:s15], $0x4000  }
0x4c: {  	[sflag:s15] =	ssyncset.done @!p1 $0x0  }
0x4d: {  	[sflag:s15] =	ssyncadd.s32 @!p1 $0xFFFFC000  }
0x4e: {  	_ =	swait.ge @!p1 [sflag:s15], $0x4000  }
0x4f: {  	[sflag:s15] =	ssyncset.done @!p1 $0x0  }
0x50: {  	[sflag:s15] =	ssyncadd.s32 @!p1 $0xFFFFC000  }
0x51: {  	_ =	swait.ge @!p1 [sflag:s15], $0x4000  }
0x52: {  	[sflag:s15] =	ssyncset.done @!p1 $0x0  }
0x53: {  	[sflag:s15] =	ssyncadd.s32 @!p1 $0xFFFFC000  }
0x54: {  	_ =	swait.ge @!p1 [sflag:s15], $0x4000  }
0x55: {  	[sflag:s15] =	ssyncset.done @!p1 $0x0  }
0x56: {  	[sflag:s15] =	ssyncadd.s32 @!p1 $0xFFFFC000  }
0x57: {  	_ =	swait.ge @!p1 [sflag:s15], $0x4000  }
0x58: {  	[sflag:s15] =	ssyncset.done @!p1 $0x0  }
0x59: {  	[sflag:s15] =	ssyncadd.s32 @!p1 $0xFFFFC000  }
0x5a: {  	_ =	swait.ge @!p1 [sflag:s15], $0x4000  }
0x5b: {  	[sflag:s15] =	ssyncset.done @!p1 $0x0  }
0x5c: {  	[sflag:s15] =	ssyncadd.s32 @!p1 $0xFFFFC000  }
0x5d: {  	_ =	swait.ge @!p1 [sflag:s15], $0x4000  }
0x5e: {  	[sflag:s15] =	ssyncset.done @!p1 $0x0  }
0x5f: {  	[sflag:s15] =	ssyncadd.s32 @!p1 $0xFFFFC000  }
0x60: {  	_ =	swait.ge @!p1 [sflag:s15], $0x4000  }
0x61: {  	[sflag:s15] =	ssyncset.done @!p1 $0x0  }
0x62: {  	[sflag:s15] =	ssyncadd.s32 @!p1 $0xFFFFC000  }
0x63: {  	_ =	swait.ge @!p1 [sflag:s15], $0x4000  }
0x64: {  	[sflag:s15] =	ssyncset.done @!p1 $0x0  }
0x65: {  	[sflag:s15] =	ssyncadd.s32 @!p1 $0xFFFFC000  }
0x66: {  	_ =	swait.ge @!p1 [sflag:s15], $0x4000  }
0x67: {  	[sflag:s15] =	ssyncset.done @!p1 $0x0  }
0x68: {  	[sflag:s15] =	ssyncadd.s32 @!p1 $0xFFFFC000  }
0x69: {  	_ =	swait.ge @!p1 [sflag:s15], $0x4000  }
0x6a: {  	[sflag:s15] =	ssyncset.done @!p1 $0x0  }
0x6b: {  	[sflag:s15] =	ssyncadd.s32 @!p1 $0xFFFFC000  }
0x6c: {  	_ =	swait.ge @!p1 [sflag:s15], $0x4000  }
0x6d: {  	[sflag:s15] =	ssyncset.done @!p1 $0x0  }
0x6e: {  	[sflag:s15] =	ssyncadd.s32 @!p1 $0xFFFFC000  }
0x6f: {  	_ =	swait.ge @!p1 [sflag:s15], $0x4000  }
0x70: {  	[sflag:s15] =	ssyncset.done @!p1 $0x0  }
0x71: {  	[sflag:s15] =	ssyncadd.s32 @!p1 $0xFFFFC000  }
0x72: {  	_ =	swait.ge @!p1 [sflag:s15], $0x4000  }
0x73: {  	[sflag:s15] =	ssyncset.done @!p1 $0x0  }
0x74: {  	[sflag:s15] =	ssyncadd.s32 @!p1 $0xFFFFC000  }
0x75: {  	_ =	swait.ge @!p1 [sflag:s15], $0x4000  }
0x76: {  	[sflag:s15] =	ssyncset.done @!p1 $0x0  }
0x77: {  	[sflag:s15] =	ssyncadd.s32 @!p1 $0xFFFFC000  }
0x78: {  	_ =	swait.ge @!p1 [sflag:s15], $0x4000  }
0x79: {  	[sflag:s15] =	ssyncset.done @!p1 $0x0  }
0x7a: {  	[sflag:s15] =	ssyncadd.s32 @!p1 $0xFFFFC000  }
0x7b: {  	_ =	swait.ge @!p1 [sflag:s15], $0x4000  }
0x7c: {  	[sflag:s15] =	ssyncset.done @!p1 $0x0  }
0x7d: {  	[sflag:s15] =	ssyncadd.s32 @!p1 $0xFFFFC000  }
0x7e: {  	_ =	swait.ge @!p1 [sflag:s15], $0x4000  }
0x7f: {  	[sflag:s15] =	ssyncset.done @!p1 $0x0  }
0x80: {  	[sflag:s15] =	ssyncadd.s32 @!p1 $0xFFFFC000  }
0x81: {  	s14 =	simm.s32 $0x2800;
	_ =	swait.ge @!p1 [sflag:s15], $0x4000  }
.LBB2_4:
0x82: {  	[sflag:s15] =	ssyncset.done @!p1 $0x0;
	s16 =	smov.u32 s14;
	s14 =	sadd.s32 $0x2800, s14  }
0x83: {  	s17 =	sshra.s32 s16, $0x2;
	p0 =	sne.s32 s14, $0x19000;
	[sflag:s15] =	ssyncadd.s32 @!p1 $0xFFFFC000  }
0x84: {  	[tilespmem:s11], [sflag:$0x1] =	stream.indirect.gather.add.f32 [hbm:s3], $0x80, s17, s10, $0xb8;
	[tilespmem:$0xA400] =	vst v63  }
0x85: {  	s15 =	sadd.s32 $0x80, s17  }
0x86: {  	[tilespmem:s11], [sflag:$0x1] =	stream.indirect.gather.add.f32 [hbm:s3], $0x80, s15, s10, $0xb8;
	[tilespmem:$0xA400] =	vst v63  }
0x87: {  	s15 =	sadd.s32 $0x100, s17  }
0x88: {  	[tilespmem:s11], [sflag:$0x1] =	stream.indirect.gather.add.f32 [hbm:s3], $0x80, s15, s10, $0xb8;
	[tilespmem:$0xA400] =	vst v63  }
0x89: {  	s15 =	sadd.s32 $0x180, s17  }
0x8a: {  	[tilespmem:s11], [sflag:$0x1] =	stream.indirect.gather.add.f32 [hbm:s3], $0x80, s15, s10, $0xb8;
	[tilespmem:$0xA400] =	vst v63  }
0x8b: {  	s15 =	sadd.s32 $0x200, s17  }
0x8c: {  	[tilespmem:s11], [sflag:$0x1] =	stream.indirect.gather.add.f32 [hbm:s3], $0x80, s15, s10, $0xb8;
	[tilespmem:$0xA400] =	vst v63  }
0x8d: {  	s15 =	sadd.s32 $0x280, s17  }
0x8e: {  	[tilespmem:s11], [sflag:$0x1] =	stream.indirect.gather.add.f32 [hbm:s3], $0x80, s15, s10, $0xb8;
	[tilespmem:$0xA400] =	vst v63  }
0x8f: {  	s15 =	sadd.s32 $0x300, s17  }
0x90: {  	[tilespmem:s11], [sflag:$0x1] =	stream.indirect.gather.add.f32 [hbm:s3], $0x80, s15, s10, $0xb8;
	[tilespmem:$0xA400] =	vst v63  }
0x91: {  	s15 =	sadd.s32 $0x380, s17  }
0x92: {  	[tilespmem:s11], [sflag:$0x1] =	stream.indirect.gather.add.f32 [hbm:s3], $0x80, s15, s10, $0xb8;
	[tilespmem:$0xA400] =	vst v63  }
0x93: {  	s15 =	sadd.s32 $0x400, s17  }
0x94: {  	[tilespmem:s11], [sflag:$0x1] =	stream.indirect.gather.add.f32 [hbm:s3], $0x80, s15, s10, $0xb8;
	[tilespmem:$0xA400] =	vst v63  }
0x95: {  	s15 =	sadd.s32 $0x480, s17  }
0x96: {  	[tilespmem:s11], [sflag:$0x1] =	stream.indirect.gather.add.f32 [hbm:s3], $0x80, s15, s10, $0xb8;
	[tilespmem:$0xA400] =	vst v63  }
0x97: {  	s15 =	sadd.s32 $0x500, s17  }
0x98: {  	[tilespmem:s11], [sflag:$0x1] =	stream.indirect.gather.add.f32 [hbm:s3], $0x80, s15, s10, $0xb8;
	[tilespmem:$0xA400] =	vst v63  }
0x99: {  	s15 =	sadd.s32 $0x580, s17  }
0x9a: {  	[tilespmem:s11], [sflag:$0x1] =	stream.indirect.gather.add.f32 [hbm:s3], $0x80, s15, s10, $0xb8;
	[tilespmem:$0xA400] =	vst v63  }
0x9b: {  	s15 =	sadd.s32 $0x600, s17  }
0x9c: {  	[tilespmem:s11], [sflag:$0x1] =	stream.indirect.gather.add.f32 [hbm:s3], $0x80, s15, s10, $0xb8;
	[tilespmem:$0xA400] =	vst v63  }
0x9d: {  	s15 =	sadd.s32 $0x680, s17  }
0x9e: {  	[tilespmem:s11], [sflag:$0x1] =	stream.indirect.gather.add.f32 [hbm:s3], $0x80, s15, s10, $0xb8;
	[tilespmem:$0xA400] =	vst v63  }
0x9f: {  	s15 =	sadd.s32 $0x700, s17  }
0xa0: {  	[tilespmem:s11], [sflag:$0x1] =	stream.indirect.gather.add.f32 [hbm:s3], $0x80, s15, s10, $0xb8;
	[tilespmem:$0xA400] =	vst v63  }
0xa1: {  	s15 =	sadd.s32 $0x780, s17  }
0xa2: {  	[tilespmem:s11], [sflag:$0x1] =	stream.indirect.gather.add.f32 [hbm:s3], $0x80, s15, s10, $0xb8;
	[tilespmem:$0xA400] =	vst v63  }
0xa3: {  	s15 =	sadd.s32 $0x800, s17  }
0xa4: {  	[tilespmem:s11], [sflag:$0x1] =	stream.indirect.gather.add.f32 [hbm:s3], $0x80, s15, s10, $0xb8;
	[tilespmem:$0xA400] =	vst v63  }
0xa5: {  	s15 =	sadd.s32 $0x880, s17  }
0xa6: {  	[tilespmem:s11], [sflag:$0x1] =	stream.indirect.gather.add.f32 [hbm:s3], $0x80, s15, s10, $0xb8;
	[tilespmem:$0xA400] =	vst v63  }
0xa7: {  	s15 =	sadd.s32 $0x900, s17  }
0xa8: {  	[tilespmem:s11], [sflag:$0x1] =	stream.indirect.gather.add.f32 [hbm:s3], $0x80, s15, s10, $0xb8;
	[tilespmem:$0xA400] =	vst v63  }
0xa9: {  	p1 =	seq.s32 s16, $0x0;
	s15 =	sadd.s32 $0x980, s17  }
0xaa: {  	[tilespmem:s11], [sflag:$0x1] =	stream.indirect.gather.add.f32 [hbm:s3], $0x80, s15, s10, $0xb8;
	[tilespmem:$0xA400] =	vst v63  }
0xab: {  	s15 =	simm.s32 @!p1 $0x1  }
0xac: {  	_ =	swait.ge @!p1 [sflag:s15], $0x4000  }
0xad: {  	[sflag:s15] =	ssyncset.done @!p1 $0x0  }
0xae: {  	[sflag:s15] =	ssyncadd.s32 @!p1 $0xFFFFC000  }
0xaf: {  	_ =	swait.ge @!p1 [sflag:s15], $0x4000  }
0xb0: {  	[sflag:s15] =	ssyncset.done @!p1 $0x0  }
0xb1: {  	[sflag:s15] =	ssyncadd.s32 @!p1 $0xFFFFC000  }
0xb2: {  	_ =	swait.ge @!p1 [sflag:s15], $0x4000  }
0xb3: {  	[sflag:s15] =	ssyncset.done @!p1 $0x0  }
0xb4: {  	[sflag:s15] =	ssyncadd.s32 @!p1 $0xFFFFC000  }
0xb5: {  	_ =	swait.ge @!p1 [sflag:s15], $0x4000  }
0xb6: {  	[sflag:s15] =	ssyncset.done @!p1 $0x0  }
0xb7: {  	[sflag:s15] =	ssyncadd.s32 @!p1 $0xFFFFC000  }
0xb8: {  	_ =	swait.ge @!p1 [sflag:s15], $0x4000  }
0xb9: {  	[sflag:s15] =	ssyncset.done @!p1 $0x0  }
0xba: {  	[sflag:s15] =	ssyncadd.s32 @!p1 $0xFFFFC000  }
0xbb: {  	_ =	swait.ge @!p1 [sflag:s15], $0x4000  }
0xbc: {  	[sflag:s15] =	ssyncset.done @!p1 $0x0  }
0xbd: {  	[sflag:s15] =	ssyncadd.s32 @!p1 $0xFFFFC000  }
0xbe: {  	_ =	swait.ge @!p1 [sflag:s15], $0x4000  }
0xbf: {  	[sflag:s15] =	ssyncset.done @!p1 $0x0  }
0xc0: {  	[sflag:s15] =	ssyncadd.s32 @!p1 $0xFFFFC000  }
0xc1: {  	_ =	swait.ge @!p1 [sflag:s15], $0x4000  }
0xc2: {  	[sflag:s15] =	ssyncset.done @!p1 $0x0  }
0xc3: {  	[sflag:s15] =	ssyncadd.s32 @!p1 $0xFFFFC000  }
0xc4: {  	_ =	swait.ge @!p1 [sflag:s15], $0x4000  }
0xc5: {  	[sflag:s15] =	ssyncset.done @!p1 $0x0  }
0xc6: {  	[sflag:s15] =	ssyncadd.s32 @!p1 $0xFFFFC000  }
0xc7: {  	_ =	swait.ge @!p1 [sflag:s15], $0x4000  }
0xc8: {  	[sflag:s15] =	ssyncset.done @!p1 $0x0  }
0xc9: {  	[sflag:s15] =	ssyncadd.s32 @!p1 $0xFFFFC000  }
0xca: {  	_ =	swait.ge @!p1 [sflag:s15], $0x4000  }
0xcb: {  	[sflag:s15] =	ssyncset.done @!p1 $0x0  }
0xcc: {  	[sflag:s15] =	ssyncadd.s32 @!p1 $0xFFFFC000  }
0xcd: {  	_ =	swait.ge @!p1 [sflag:s15], $0x4000  }
0xce: {  	[sflag:s15] =	ssyncset.done @!p1 $0x0  }
0xcf: {  	[sflag:s15] =	ssyncadd.s32 @!p1 $0xFFFFC000  }
0xd0: {  	_ =	swait.ge @!p1 [sflag:s15], $0x4000  }
0xd1: {  	[sflag:s15] =	ssyncset.done @!p1 $0x0  }
0xd2: {  	[sflag:s15] =	ssyncadd.s32 @!p1 $0xFFFFC000  }
0xd3: {  	_ =	swait.ge @!p1 [sflag:s15], $0x4000  }
0xd4: {  	[sflag:s15] =	ssyncset.done @!p1 $0x0  }
0xd5: {  	[sflag:s15] =	ssyncadd.s32 @!p1 $0xFFFFC000  }
0xd6: {  	_ =	swait.ge @!p1 [sflag:s15], $0x4000  }
0xd7: {  	[sflag:s15] =	ssyncset.done @!p1 $0x0  }
0xd8: {  	[sflag:s15] =	ssyncadd.s32 @!p1 $0xFFFFC000  }
0xd9: {  	_ =	swait.ge @!p1 [sflag:s15], $0x4000  }
0xda: {  	[sflag:s15] =	ssyncset.done @!p1 $0x0  }
0xdb: {  	[sflag:s15] =	ssyncadd.s32 @!p1 $0xFFFFC000  }
0xdc: {  	_ =	swait.ge @!p1 [sflag:s15], $0x4000  }
0xdd: {  	[sflag:s15] =	ssyncset.done @!p1 $0x0  }
0xde: {  	[sflag:s15] =	ssyncadd.s32 @!p1 $0xFFFFC000  }
0xdf: {  	_ =	swait.ge @!p1 [sflag:s15], $0x4000  }
0xe0: {  	[sflag:s15] =	ssyncset.done @!p1 $0x0  }
.Ltmp1:
0xe1: {  	[sflag:s15] =	ssyncadd.s32 @!p1 $0xFFFFC000;
	(pc) =	sbr.rel @p0 .LBB2_4-.Ltmp1, $4  }
0xe2: {  	_ =	swait.ge @!p1 [sflag:s15], $0x4000  }
0xe3: {  	[sflag:s15] =	ssyncset.done @!p1 $0x0  }
0xe4: {  	[sflag:s15] =	ssyncadd.s32 @!p1 $0xFFFFC000  }
0xe5: {  	_ =	swait.ge @!p1 [sflag:s15], $0x4000  }
0xe6: {  	[sflag:s15] =	ssyncset.done @!p1 $0x0  }
0xe7: {  	[sflag:s15] =	ssyncadd.s32 @!p1 $0xFFFFC000  }
0xe8: {  	_ =	swait.ge [sflag:s9], $0x4000  }
0xe9: {  	[sflag:s9] =	ssyncset.done $0x0  }
0xea: {  	[sflag:s9] =	ssyncadd.s32 $0xFFFFC000  }
0xeb: {  	_ =	swait.ge [sflag:s9], $0x4000  }
0xec: {  	[sflag:s9] =	ssyncset.done $0x0  }
0xed: {  	[sflag:s9] =	ssyncadd.s32 $0xFFFFC000  }
0xee: {  	_ =	swait.ge [sflag:s9], $0x4000  }
0xef: {  	[sflag:s9] =	ssyncset.done $0x0  }
0xf0: {  	[sflag:s9] =	ssyncadd.s32 $0xFFFFC000  }
0xf1: {  	_ =	swait.ge [sflag:s9], $0x4000  }
0xf2: {  	[sflag:s9] =	ssyncset.done $0x0  }
0xf3: {  	[sflag:s9] =	ssyncadd.s32 $0xFFFFC000  }
0xf4: {  	_ =	swait.ge [sflag:s9], $0x4000  }
0xf5: {  	[sflag:s9] =	ssyncset.done $0x0  }
0xf6: {  	[sflag:s9] =	ssyncadd.s32 $0xFFFFC000  }
0xf7: {  	_ =	swait.ge [sflag:s9], $0x4000  }
0xf8: {  	[sflag:s9] =	ssyncset.done $0x0  }
0xf9: {  	[sflag:s9] =	ssyncadd.s32 $0xFFFFC000  }
0xfa: {  	_ =	swait.ge [sflag:s9], $0x4000  }
0xfb: {  	[sflag:s9] =	ssyncset.done $0x0  }
0xfc: {  	[sflag:s9] =	ssyncadd.s32 $0xFFFFC000  }
0xfd: {  	_ =	swait.ge [sflag:s9], $0x4000  }
0xfe: {  	[sflag:s9] =	ssyncset.done $0x0  }
0xff: {  	[sflag:s9] =	ssyncadd.s32 $0xFFFFC000  }
0x100: {  	_ =	swait.ge [sflag:s9], $0x4000  }
0x101: {  	[sflag:s9] =	ssyncset.done $0x0  }
0x102: {  	[sflag:s9] =	ssyncadd.s32 $0xFFFFC000  }
0x103: {  	_ =	swait.ge [sflag:s9], $0x4000  }
0x104: {  	[sflag:s9] =	ssyncset.done $0x0  }
0x105: {  	[sflag:s9] =	ssyncadd.s32 $0xFFFFC000  }
0x106: {  	_ =	swait.ge [sflag:s9], $0x4000  }
0x107: {  	[sflag:s9] =	ssyncset.done $0x0  }
0x108: {  	[sflag:s9] =	ssyncadd.s32 $0xFFFFC000  }
0x109: {  	_ =	swait.ge [sflag:s9], $0x4000  }
0x10a: {  	[sflag:s9] =	ssyncset.done $0x0  }
0x10b: {  	[sflag:s9] =	ssyncadd.s32 $0xFFFFC000  }
0x10c: {  	_ =	swait.ge [sflag:s9], $0x4000  }
0x10d: {  	[sflag:s9] =	ssyncset.done $0x0  }
0x10e: {  	[sflag:s9] =	ssyncadd.s32 $0xFFFFC000  }
0x10f: {  	_ =	swait.ge [sflag:s9], $0x4000  }
0x110: {  	[sflag:s9] =	ssyncset.done $0x0  }
0x111: {  	[sflag:s9] =	ssyncadd.s32 $0xFFFFC000  }
0x112: {  	_ =	swait.ge [sflag:s9], $0x4000  }
0x113: {  	[sflag:s9] =	ssyncset.done $0x0  }
0x114: {  	[sflag:s9] =	ssyncadd.s32 $0xFFFFC000  }
0x115: {  	_ =	swait.ge [sflag:s9], $0x4000  }
0x116: {  	[sflag:s9] =	ssyncset.done $0x0  }
0x117: {  	[sflag:s9] =	ssyncadd.s32 $0xFFFFC000  }
0x118: {  	_ =	swait.ge [sflag:s9], $0x4000  }
0x119: {  	[sflag:s9] =	ssyncset.done $0x0  }
0x11a: {  	[sflag:s9] =	ssyncadd.s32 $0xFFFFC000  }
0x11b: {  	_ =	swait.ge [sflag:s9], $0x4000  }
0x11c: {  	[sflag:s9] =	ssyncset.done $0x0  }
0x11d: {  	[sflag:s9] =	ssyncadd.s32 $0xFFFFC000  }
0x11e: {  	_ =	swait.ge [sflag:s9], $0x4000  }
0x11f: {  	[sflag:s9] =	ssyncset.done $0x0  }
0x120: {  	[sflag:s9] =	ssyncadd.s32 $0xFFFFC000  }
0x121: {  	s13 =	sadd.s32 $0x1, s13;
	_ =	swait.ge [sflag:s9], $0x4000  }
0x122: {  	p0 =	sne.s32 s13, s6;
	[sflag:s9] =	ssyncset.done $0x0  }
.Ltmp2:
0x123: {  	[sflag:s9] =	ssyncadd.s32 $0xFFFFC000;
	(pc) =	sbr.rel @p0 .LBB2_1-.Ltmp2, $4  }
0x124: {  	[hbm4b:s5+s2] =	stream.linear.scatter [tilespmem:s11], [sflag:$0x2], $0x4000, $0x38;
	[tilespmem:$0xA400] =	vst v63  }
0x125: {  	_ =	swait.ge [sflag:s12], $0x4000  }
0x126: {  	[sflag:s12] =	ssyncset.done $0x0  }
0x127: {  	[sflag:s12] =	ssyncadd.s32 $0xFFFFC000  }
0x128: {  	_ =	sfence.sel $0x180000  }
0x129: {  	[bflag:$0x0] =	sbarrier.arrive $0xFFFF  }
0x12a: {  	p0 =	sne.s32 s1, $0x0;
	_ =	strace $0x90000047  }
0x12b: {  	s0 =	sadd.s32 @!p0 $0x100000, s0;
	[bflag:$0x2] =	sbarrier.arrive $0xFFFF  }
0x12c: {  	[sflag:s0] =	ssyncadd.tile.s32 @!p0 $0x1;
	_ =	shalt  }
.Lfunc_end2:
_tile_overlayer_lowered:
.L_overlay_start_2:
0x12d: {  	(tag) =	ssettag $0x2  }
0x12e: {  	s0 =	rddreg [dreg:$0x0];
	s2 =	stileid.u32  }
0x12f: {  	s1 =	rddreg [dreg:$0x1];
	p0 =	sne.s32 s2, $0x0  }
0x130: {  	s3 =	rddreg [dreg:$0x2];
	[bflag:$0x3] =	sbarrier.arrive $0xFFFF;
	s2 =	simm.s32 @!p0 $0x1C02  }
0x131: {  	[timem:s3], [sflag:s2] =	dma.local @!p0 [hbm:s0], s1  }
0x132: {  	s0 =	simm.s32 @!p0 $0x2  }
0x133: {  	_ =	swait.ge @!p0 [sflag:s0], s1  }
0x134: {  	s1 =	ssub.s32 @!p0 $0x0, s1;
	[sflag:s0] =	ssyncset.done @!p0 $0x0  }
0x135: {  	[sflag:s0] =	ssyncadd.s32 @!p0 s1  }
0x136: {  	[bflag:$0x3] =	sbarrier.arrive $0xFFFF  }
0x137: {  	_ =	shalt  }

</sc_bundles>
